<compile_context>
chip_gen: v7x
topology: tpu7x:2x2x1
jax: 0.10.2.dev20260603
libtpu: 0.0.44.dev20260713+nightly
codegen_flags: <defaults>
</compile_context>

<pallas_src>
import functools

import jax
import jax.numpy as jnp
from jax import lax
from jax.experimental import pallas as pl
from jax.experimental.pallas import tpu as pltpu
from jax.experimental.pallas import tpu_sc as plsc

_ROWS = 8
_N = 2048
_L = 16
_W = 4
_SEGW = _N // _W
_NCH = _SEGW // _L
_ALPHA = 0.0
_BETA = 1.0
_FIT_GAP = _BETA * (_N - 1) / 2.0 + _ALPHA

_mesh = plsc.VectorSubcoreMesh(core_axis_name="c", subcore_axis_name="s")


def _gather(v, idx):
    return v.at[idx].get(mode="promise_in_bounds")


def _splat_max(v, lanes):
    for d in (8, 4, 2, 1):
        v = jnp.maximum(v, _gather(v, lanes ^ d))
    return v


def _splat_sum(v, lanes):
    for d in (8, 4, 2, 1):
        v = v + _gather(v, lanes ^ d)
    return v


@functools.partial(
    pl.kernel,
    mesh=_mesh,
    out_type=jax.ShapeDtypeStruct((_ROWS, _N), jnp.float32),
    scratch_types=[
        pltpu.VMEM((_SEGW,), jnp.float32),
        pltpu.VMEM((_SEGW,), jnp.float32),
        pltpu.VMEM((2, _L), jnp.float32),
        pltpu.VMEM((_W, 2, _L), jnp.float32),
        pltpu.VMEM_SHARED((16, 2, _L), jnp.float32),
        pltpu.SemaphoreType.DMA,
        pltpu.SemaphoreType.DMA,
        pltpu.SemaphoreType.DMA,
        pltpu.SemaphoreType.DMA,
    ],
)
def _oscarmax_sc(x_hbm, out_hbm, row_v, out_v, st_v, qd_v, sh_v,
                 sem_a, sem_b, sem_c, sem_d):
    s = lax.axis_index("s")
    row = lax.axis_index("c") * 4 + s // _W
    part = s % _W
    qbase = (s // _W) * _W
    half = _SEGW // 2
    hch = _NCH // 2

    in0 = pltpu.async_copy(
        x_hbm.at[row, pl.ds(part * _SEGW, half)], row_v.at[pl.ds(0, half)],
        sem_a)
    in1 = pltpu.async_copy(
        x_hbm.at[row, pl.ds(part * _SEGW + half, half)],
        row_v.at[pl.ds(half, half)], sem_b)

    lanes = lax.iota(jnp.int32, _L)
    zero_v = jnp.zeros((_L,), jnp.float32)

    def p1_body(c, carry):
        mv, sgn = carry
        v = row_v[pl.ds(c * _L, _L)]
        return jnp.maximum(mv, jnp.abs(v)), sgn + jnp.sign(v)

    in0.wait()
    mv, sgn = lax.fori_loop(0, hch, p1_body, (zero_v, zero_v), unroll=16)
    in1.wait()
    mv, sgn = lax.fori_loop(hch, _NCH, p1_body, (mv, sgn), unroll=16)

    st_v[0, :] = mv
    st_v[1, :] = sgn
    pltpu.sync_copy(st_v, sh_v.at[s])
    plsc.subcore_barrier()
    pltpu.sync_copy(sh_v.at[pl.ds(qbase, _W)], qd_v)

    mq = qd_v[0, 0, :]
    tq = qd_v[0, 1, :]
    for j in range(1, _W):
        mq = jnp.maximum(mq, qd_v[j, 0, :])
        tq = tq + qd_v[j, 1, :]
    m = _splat_max(mq, lanes)
    t = _splat_sum(tq, lanes)

    z = jnp.maximum(jnp.minimum(m - _FIT_GAP, 0.0), 0.0)

    tau = (z * t - 1.0) / jnp.float32(_N)

    def p2_body(c, carry):
        v = row_v[pl.ds(c * _L, _L)]
        q = jnp.sign(v) * z
        out_v[pl.ds(c * _L, _L)] = jnp.maximum(q - tau, 0.0)
        return carry

    lax.fori_loop(0, hch, p2_body, jnp.int32(0), unroll=16)
    out0 = pltpu.async_copy(
        out_v.at[pl.ds(0, half)], out_hbm.at[row, pl.ds(part * _SEGW, half)],
        sem_c)
    lax.fori_loop(hch, _NCH, p2_body, jnp.int32(0), unroll=16)
    out1 = pltpu.async_copy(
        out_v.at[pl.ds(half, half)],
        out_hbm.at[row, pl.ds(part * _SEGW + half, half)], sem_d)
    out0.wait()
    out1.wait()


def kernel(x):
    return _oscarmax_sc(x)

# --- scband reference (transcript-rebuilt; emitter-appended) ---
"""Pipeline reference for scband-oscarmax-10419590660761 (READ-ONLY COPY).

The authoritative reference and input builder live on the scoring server;
editing this copy changes nothing except your own understanding.
"""

import jax, jax.numpy as jnp
import numpy as np

ALPHA = 0.0
BETA = 1.0


def _isotonic_nondecreasing(y):
    # Minimax formula for isotonic (non-decreasing) L2 regression:
    #   yhat_i = max_{j<=i} min_{k>=i} mean(y[j..k])
    n = y.shape[0]
    P = jnp.concatenate([jnp.zeros((1,), y.dtype), jnp.cumsum(y)])
    j = jnp.arange(n)[:, None]
    k = jnp.arange(n)[None, :]
    valid = k >= j
    lens = jnp.where(valid, (k - j + 1).astype(y.dtype), jnp.asarray(1.0, y.dtype))
    means = (P[k + 1] - P[j]) / lens
    means = jnp.where(valid, means, jnp.inf)
    # cmin[j, i] = min_{k >= i} means[j, k]
    cmin = -jax.lax.cummax(-means, axis=1, reverse=True)
    cmin = jnp.where(j <= k, cmin, -jnp.inf)
    g = jax.lax.cummax(cmin, axis=0)
    return jnp.diagonal(g)


def _isotonic_nonincreasing(y):
    return _isotonic_nondecreasing(y[::-1])[::-1]


def _oscar_prox_row(v, w):
    # prox_owl: sort |v| descending, subtract OSCAR weights, decreasing isotonic
    # regression clipped at 0, unsort, restore signs.
    n = v.shape[0]
    v_abs = jnp.abs(v)
    ix = jnp.argsort(-v_abs)
    s = v_abs[ix] - w
    z = jnp.maximum(_isotonic_nonincreasing(s), 0.0)
    inv = jnp.zeros((n,), dtype=ix.dtype).at[ix].set(jnp.arange(n, dtype=ix.dtype))
    return jnp.sign(v) * z[inv]


def _sparsemax_row(z):
    n = z.shape[0]
    zs = -jnp.sort(-z)
    css = jnp.cumsum(zs)
    rng = jnp.arange(1, n + 1, dtype=z.dtype)
    k = jnp.sum((1.0 + rng * zs > css).astype(jnp.int32))
    tau = (css[k - 1] - 1.0) / k.astype(z.dtype)
    return jnp.maximum(z - tau, 0.0)


def _row(v):
    n = v.shape[0]
    w = jnp.arange(n - 1, -1, -1, dtype=v.dtype) * jnp.asarray(BETA, v.dtype) + jnp.asarray(ALPHA, v.dtype)
    return _sparsemax_row(_oscar_prox_row(v, w))


def setup_inputs(seed: int = 0) -> dict:
    key = jax.random.key(seed)
    x = jax.random.normal(key, (8, 2048), dtype=jnp.float32)
    return {"x": x}


def reference(x):
    # Oscarmax: sparsemax(oscar_prox(x)), applied independently per row
    # (lengths=None -> full rows).
    return jax.lax.map(jax.checkpoint(_row), x)

if __name__ == "__main__":
    import jax
    _d = setup_inputs()
    print(jax.jit(kernel)(*tuple(_d.values())))

</pallas_src>

<mosaic_0001>
#map = affine_map<(d0, d1) -> (0, 0)>
module attributes {stable_mosaic.version = 14 : i64} {
  func.func @_oscarmax_sc(%arg0: i32, %arg1: i32, %arg2: memref<8x2048xf32, #tpu.memory_space<hbm>>, %arg3: memref<8x2048xf32, #tpu.memory_space<hbm>>, %arg4: memref<512xf32, #tpu.memory_space<vmem>>, %arg5: memref<512xf32, #tpu.memory_space<vmem>>, %arg6: memref<2x16xf32, #tpu.memory_space<vmem>>, %arg7: memref<4x2x16xf32, #tpu.memory_space<vmem>>, %arg8: memref<16x2x16xf32, #tpu.memory_space<vmem_shared>>, %arg9: memref<!tpu.dma_semaphore, #tpu.memory_space<semaphore_mem>>, %arg10: memref<!tpu.dma_semaphore, #tpu.memory_space<semaphore_mem>>, %arg11: memref<!tpu.dma_semaphore, #tpu.memory_space<semaphore_mem>>, %arg12: memref<!tpu.dma_semaphore, #tpu.memory_space<semaphore_mem>>) attributes {dimension_semantics = [#tpu.dimension_semantics<core_parallel>, #tpu.dimension_semantics<subcore_parallel>], iteration_bounds = array<i64: 2, 16>, scalar_prefetch = 0 : i64, scratch_operands = 9 : i64, tpu.core_type = #tpu.core_type<sc_vector_subcore>, window_params = [{transform_indices = #map}, {transform_indices = #map}]} {
    %mul3A = arith.constant 4 : i32
    %mul3A_0 = arith.muli %arg0, %mul3A : i32
    %jit3A = arith.constant 4 : i32
    %div3A = arith.divsi %arg1, %jit3A : i32
    %sign3A = arith.constant 0 : i32
    %sign3A_1 = arith.cmpi sgt, %arg1, %sign3A : i32
    %sign3A_2 = arith.extui %sign3A_1 : i1 to i32
    %sign3A_3 = arith.constant 0 : i32
    %sign3A_4 = arith.cmpi slt, %arg1, %sign3A_3 : i32
    %sign3A_5 = arith.extui %sign3A_4 : i1 to i32
    %sign3A_6 = arith.subi %sign3A_2, %sign3A_5 : i32
    %sign3A_7 = arith.constant 0 : i32
    %sign3A_8 = arith.cmpi sgt, %jit3A, %sign3A_7 : i32
    %sign3A_9 = arith.extui %sign3A_8 : i1 to i32
    %sign3A_10 = arith.constant 0 : i32
    %sign3A_11 = arith.cmpi slt, %jit3A, %sign3A_10 : i32
    %sign3A_12 = arith.extui %sign3A_11 : i1 to i32
    %sign3A_13 = arith.subi %sign3A_9, %sign3A_12 : i32
    %ne3A = arith.cmpi ne, %sign3A_6, %sign3A_13 : i32
    %rem3A = arith.remsi %arg1, %jit3A : i32
    %ne3A_14 = arith.constant 0 : i32
    %ne3A_15 = arith.cmpi ne, %rem3A, %ne3A_14 : i32
    %and3A = arith.andi %ne3A, %ne3A_15 : i1
    %sub3A = arith.constant 1 : i32
    %sub3A_16 = arith.subi %div3A, %sub3A : i32
    %select_n3A = arith.select %and3A, %sub3A_16, %div3A : i32
    %add3A = arith.addi %mul3A_0, %select_n3A : i32
    %jit3A_17 = arith.constant 4 : i32
    %eq3A = arith.constant 0 : i32
    %eq3A_18 = arith.cmpi eq, %jit3A_17, %eq3A : i32
    %jit3A_19 = arith.constant 1 : i32
    %select_n3A_20 = arith.select %eq3A_18, %jit3A_19, %jit3A_17 : i32
    %rem3A_21 = arith.remsi %arg1, %select_n3A_20 : i32
    %ne3A_22 = arith.constant 0 : i32
    %ne3A_23 = arith.cmpi ne, %rem3A_21, %ne3A_22 : i32
    %lt3A = arith.constant 0 : i32
    %lt3A_24 = arith.cmpi slt, %rem3A_21, %lt3A : i32
    %lt3A_25 = arith.constant 0 : i32
    %lt3A_26 = arith.cmpi slt, %select_n3A_20, %lt3A_25 : i32
    %ne3A_27 = arith.xori %lt3A_24, %lt3A_26 : i1
    %and3A_28 = arith.andi %ne3A_27, %ne3A_23 : i1
    %add3A_29 = arith.addi %rem3A_21, %select_n3A_20 : i32
    %select_n3A_30 = arith.select %and3A_28, %add3A_29, %rem3A_21 : i32
    %jit3A_31 = arith.constant 4 : i32
    %div3A_32 = arith.divsi %arg1, %jit3A_31 : i32
    %sign3A_33 = arith.constant 0 : i32
    %sign3A_34 = arith.cmpi sgt, %arg1, %sign3A_33 : i32
    %sign3A_35 = arith.extui %sign3A_34 : i1 to i32
    %sign3A_36 = arith.constant 0 : i32
    %sign3A_37 = arith.cmpi slt, %arg1, %sign3A_36 : i32
    %sign3A_38 = arith.extui %sign3A_37 : i1 to i32
    %sign3A_39 = arith.subi %sign3A_35, %sign3A_38 : i32
    %sign3A_40 = arith.constant 0 : i32
    %sign3A_41 = arith.cmpi sgt, %jit3A_31, %sign3A_40 : i32
    %sign3A_42 = arith.extui %sign3A_41 : i1 to i32
    %sign3A_43 = arith.constant 0 : i32
    %sign3A_44 = arith.cmpi slt, %jit3A_31, %sign3A_43 : i32
    %sign3A_45 = arith.extui %sign3A_44 : i1 to i32
    %sign3A_46 = arith.subi %sign3A_42, %sign3A_45 : i32
    %ne3A_47 = arith.cmpi ne, %sign3A_39, %sign3A_46 : i32
    %rem3A_48 = arith.remsi %arg1, %jit3A_31 : i32
    %ne3A_49 = arith.constant 0 : i32
    %ne3A_50 = arith.cmpi ne, %rem3A_48, %ne3A_49 : i32
    %and3A_51 = arith.andi %ne3A_47, %ne3A_50 : i1
    %sub3A_52 = arith.constant 1 : i32
    %sub3A_53 = arith.subi %div3A_32, %sub3A_52 : i32
    %select_n3A_54 = arith.select %and3A_51, %sub3A_53, %div3A_32 : i32
    %mul3A_55 = arith.constant 4 : i32
    %mul3A_56 = arith.muli %select_n3A_54, %mul3A_55 : i32
    %mul3A_57 = arith.constant 512 : i32
    %mul3A_58 = arith.muli %select_n3A_30, %mul3A_57 : i32
    %dma_start3A = arith.constant 0 : i32
    %dma_start3A_59 = tpu.memref_slice %arg4[%dma_start3A] : memref<512xf32, #tpu.memory_space<vmem>> -> memref<256xf32, #tpu.memory_space<vmem>>
    %dma_start3A_60 = tpu.memref_slice %arg2[%add3A, %mul3A_58] : memref<8x2048xf32, #tpu.memory_space<hbm>> -> memref<1x256xf32, #tpu.memory_space<hbm>>
    %dma_start3A_61 = tpu.memref_squeeze %dma_start3A_60 : memref<1x256xf32, #tpu.memory_space<hbm>> -> memref<256xf32, #tpu.memory_space<hbm>>
    %dma_start3A_62 = arith.constant 0 : i32
    %dma_start3A_63 = tpu.memref_slice %arg4[%dma_start3A_62] : memref<512xf32, #tpu.memory_space<vmem>> -> memref<256xf32, #tpu.memory_space<vmem>>
    %dma_start3A_64 = tpu.memref_slice %arg2[%add3A, %mul3A_58] : memref<8x2048xf32, #tpu.memory_space<hbm>> -> memref<1x256xf32, #tpu.memory_space<hbm>>
    %dma_start3A_65 = tpu.memref_squeeze %dma_start3A_64 : memref<1x256xf32, #tpu.memory_space<hbm>> -> memref<256xf32, #tpu.memory_space<hbm>>
    tpu.enqueue_dma source(%dma_start3A_65 : memref<256xf32, #tpu.memory_space<hbm>>) target(%dma_start3A_63 : memref<256xf32, #tpu.memory_space<vmem>>) target_semaphore(%arg9 : memref<!tpu.dma_semaphore, #tpu.memory_space<semaphore_mem>>)
    %mul3A_66 = arith.constant 512 : i32
    %mul3A_67 = arith.muli %select_n3A_30, %mul3A_66 : i32
    %add3A_68 = arith.constant 256 : i32
    %add3A_69 = arith.addi %mul3A_67, %add3A_68 : i32
    %dma_start3A_70 = arith.constant 256 : i32
    %dma_start3A_71 = tpu.memref_slice %arg4[%dma_start3A_70] : memref<512xf32, #tpu.memory_space<vmem>> -> memref<256xf32, #tpu.memory_space<vmem>>
    %dma_start3A_72 = tpu.memref_slice %arg2[%add3A, %add3A_69] : memref<8x2048xf32, #tpu.memory_space<hbm>> -> memref<1x256xf32, #tpu.memory_space<hbm>>
    %dma_start3A_73 = tpu.memref_squeeze %dma_start3A_72 : memref<1x256xf32, #tpu.memory_space<hbm>> -> memref<256xf32, #tpu.memory_space<hbm>>
    %dma_start3A_74 = arith.constant 256 : i32
    %dma_start3A_75 = tpu.memref_slice %arg4[%dma_start3A_74] : memref<512xf32, #tpu.memory_space<vmem>> -> memref<256xf32, #tpu.memory_space<vmem>>
    %dma_start3A_76 = tpu.memref_slice %arg2[%add3A, %add3A_69] : memref<8x2048xf32, #tpu.memory_space<hbm>> -> memref<1x256xf32, #tpu.memory_space<hbm>>
    %dma_start3A_77 = tpu.memref_squeeze %dma_start3A_76 : memref<1x256xf32, #tpu.memory_space<hbm>> -> memref<256xf32, #tpu.memory_space<hbm>>
    tpu.enqueue_dma source(%dma_start3A_77 : memref<256xf32, #tpu.memory_space<hbm>>) target(%dma_start3A_75 : memref<256xf32, #tpu.memory_space<vmem>>) target_semaphore(%arg10 : memref<!tpu.dma_semaphore, #tpu.memory_space<semaphore_mem>>)
    %iota3A = tpu.iota {dimensions = array<i32: 0>} : vector<16xi32>
    %broadcast_in_dim3A = arith.constant 0.000000e+00 : f32
    %broadcast_in_dim3A_78 = vector.broadcast %broadcast_in_dim3A : f32 to vector<16xf32>
    %dma_wait3A = arith.constant 0 : i32
    %dma_wait3A_79 = tpu.memref_slice %arg4[%dma_wait3A] : memref<512xf32, #tpu.memory_space<vmem>> -> memref<256xf32, #tpu.memory_space<vmem>>
    %dma_wait3A_80 = tpu.memref_slice %arg2[%add3A, %mul3A_58] : memref<8x2048xf32, #tpu.memory_space<hbm>> -> memref<1x256xf32, #tpu.memory_space<hbm>>
    %dma_wait3A_81 = tpu.memref_squeeze %dma_wait3A_80 : memref<1x256xf32, #tpu.memory_space<hbm>> -> memref<256xf32, #tpu.memory_space<hbm>>
    %dma_wait3A_82 = arith.constant 0 : i32
    %dma_wait3A_83 = tpu.memref_slice %arg4[%dma_wait3A_82] : memref<512xf32, #tpu.memory_space<vmem>> -> memref<256xf32, #tpu.memory_space<vmem>>
    %dma_wait3A_84 = tpu.memref_slice %arg2[%add3A, %mul3A_58] : memref<8x2048xf32, #tpu.memory_space<hbm>> -> memref<1x256xf32, #tpu.memory_space<hbm>>
    %dma_wait3A_85 = tpu.memref_squeeze %dma_wait3A_84 : memref<1x256xf32, #tpu.memory_space<hbm>> -> memref<256xf32, #tpu.memory_space<hbm>>
    tpu.wait_dma2 semaphore(%arg9 : memref<!tpu.dma_semaphore, #tpu.memory_space<semaphore_mem>>) src(%dma_wait3A_85 : memref<256xf32, #tpu.memory_space<hbm>>) dst(%dma_wait3A_83 : memref<256xf32, #tpu.memory_space<vmem>>)
    %scan3A = arith.constant 0 : i32
    %mul3A_86 = arith.constant 16 : i32
    %mul3A_87 = arith.muli %scan3A, %mul3A_86 : i32
    %get3A = arith.index_cast %mul3A_87 : i32 to index
    %get3A_88 = tpu.vector_load %arg4[%get3A] {strides = array<i32>} : memref<512xf32, #tpu.memory_space<vmem>>, vector<16xf32>,
    %get3A_89 = vector.shape_cast %get3A_88 : vector<16xf32> to vector<16xf32>
    %abs3A = math.absf %get3A_89 : vector<16xf32>
    %max3A = arith.maximumf %broadcast_in_dim3A_78, %abs3A : vector<16xf32>
    %sign3A_90 = tpu.bitcast %get3A_89 : vector<16xf32> -> vector<16xi32>
    %sign3A_91 = arith.constant -2147483648 : i32
    %sign3A_92 = vector.broadcast %sign3A_91 : i32 to vector<16xi32>
    %sign3A_93 = arith.andi %sign3A_90, %sign3A_92 : vector<16xi32>
    %sign3A_94 = arith.constant 1065353216 : i32
    %sign3A_95 = vector.broadcast %sign3A_94 : i32 to vector<16xi32>
    %sign3A_96 = arith.ori %sign3A_95, %sign3A_93 : vector<16xi32>
    %sign3A_97 = tpu.bitcast %sign3A_96 : vector<16xi32> -> vector<16xf32>
    %sign3A_98 = math.absf %get3A_89 : vector<16xf32>
    %sign3A_99 = arith.constant 0.000000e+00 : f32
    %sign3A_100 = vector.broadcast %sign3A_99 : f32 to vector<16xf32>
    %sign3A_101 = arith.cmpf ogt, %sign3A_98, %sign3A_100 : vector<16xf32>
    %sign3A_102 = arith.select %sign3A_101, %sign3A_97, %get3A_89 : vector<16xi1>, vector<16xf32>
    %add3A_103 = arith.addf %broadcast_in_dim3A_78, %sign3A_102 : vector<16xf32>
    %scan3A_104 = arith.constant 1 : i32
    %mul3A_105 = arith.constant 16 : i32
    %mul3A_106 = arith.muli %scan3A_104, %mul3A_105 : i32
    %get3A_107 = arith.index_cast %mul3A_106 : i32 to index
    %get3A_108 = tpu.vector_load %arg4[%get3A_107] {strides = array<i32>} : memref<512xf32, #tpu.memory_space<vmem>>, vector<16xf32>,
    %get3A_109 = vector.shape_cast %get3A_108 : vector<16xf32> to vector<16xf32>
    %abs3A_110 = math.absf %get3A_109 : vector<16xf32>
    %max3A_111 = arith.maximumf %max3A, %abs3A_110 : vector<16xf32>
    %sign3A_112 = tpu.bitcast %get3A_109 : vector<16xf32> -> vector<16xi32>
    %sign3A_113 = arith.constant -2147483648 : i32
    %sign3A_114 = vector.broadcast %sign3A_113 : i32 to vector<16xi32>
    %sign3A_115 = arith.andi %sign3A_112, %sign3A_114 : vector<16xi32>
    %sign3A_116 = arith.constant 1065353216 : i32
    %sign3A_117 = vector.broadcast %sign3A_116 : i32 to vector<16xi32>
    %sign3A_118 = arith.ori %sign3A_117, %sign3A_115 : vector<16xi32>
    %sign3A_119 = tpu.bitcast %sign3A_118 : vector<16xi32> -> vector<16xf32>
    %sign3A_120 = math.absf %get3A_109 : vector<16xf32>
    %sign3A_121 = arith.constant 0.000000e+00 : f32
    %sign3A_122 = vector.broadcast %sign3A_121 : f32 to vector<16xf32>
    %sign3A_123 = arith.cmpf ogt, %sign3A_120, %sign3A_122 : vector<16xf32>
    %sign3A_124 = arith.select %sign3A_123, %sign3A_119, %get3A_109 : vector<16xi1>, vector<16xf32>
    %add3A_125 = arith.addf %add3A_103, %sign3A_124 : vector<16xf32>
    %scan3A_126 = arith.constant 2 : i32
    %mul3A_127 = arith.constant 16 : i32
    %mul3A_128 = arith.muli %scan3A_126, %mul3A_127 : i32
    %get3A_129 = arith.index_cast %mul3A_128 : i32 to index
    %get3A_130 = tpu.vector_load %arg4[%get3A_129] {strides = array<i32>} : memref<512xf32, #tpu.memory_space<vmem>>, vector<16xf32>,
    %get3A_131 = vector.shape_cast %get3A_130 : vector<16xf32> to vector<16xf32>
    %abs3A_132 = math.absf %get3A_131 : vector<16xf32>
    %max3A_133 = arith.maximumf %max3A_111, %abs3A_132 : vector<16xf32>
    %sign3A_134 = tpu.bitcast %get3A_131 : vector<16xf32> -> vector<16xi32>
    %sign3A_135 = arith.constant -2147483648 : i32
    %sign3A_136 = vector.broadcast %sign3A_135 : i32 to vector<16xi32>
    %sign3A_137 = arith.andi %sign3A_134, %sign3A_136 : vector<16xi32>
    %sign3A_138 = arith.constant 1065353216 : i32
    %sign3A_139 = vector.broadcast %sign3A_138 : i32 to vector<16xi32>
    %sign3A_140 = arith.ori %sign3A_139, %sign3A_137 : vector<16xi32>
    %sign3A_141 = tpu.bitcast %sign3A_140 : vector<16xi32> -> vector<16xf32>
    %sign3A_142 = math.absf %get3A_131 : vector<16xf32>
    %sign3A_143 = arith.constant 0.000000e+00 : f32
    %sign3A_144 = vector.broadcast %sign3A_143 : f32 to vector<16xf32>
    %sign3A_145 = arith.cmpf ogt, %sign3A_142, %sign3A_144 : vector<16xf32>
    %sign3A_146 = arith.select %sign3A_145, %sign3A_141, %get3A_131 : vector<16xi1>, vector<16xf32>
    %add3A_147 = arith.addf %add3A_125, %sign3A_146 : vector<16xf32>
    %scan3A_148 = arith.constant 3 : i32
    %mul3A_149 = arith.constant 16 : i32
    %mul3A_150 = arith.muli %scan3A_148, %mul3A_149 : i32
    %get3A_151 = arith.index_cast %mul3A_150 : i32 to index
    %get3A_152 = tpu.vector_load %arg4[%get3A_151] {strides = array<i32>} : memref<512xf32, #tpu.memory_space<vmem>>, vector<16xf32>,
    %get3A_153 = vector.shape_cast %get3A_152 : vector<16xf32> to vector<16xf32>
    %abs3A_154 = math.absf %get3A_153 : vector<16xf32>
    %max3A_155 = arith.maximumf %max3A_133, %abs3A_154 : vector<16xf32>
    %sign3A_156 = tpu.bitcast %get3A_153 : vector<16xf32> -> vector<16xi32>
    %sign3A_157 = arith.constant -2147483648 : i32
    %sign3A_158 = vector.broadcast %sign3A_157 : i32 to vector<16xi32>
    %sign3A_159 = arith.andi %sign3A_156, %sign3A_158 : vector<16xi32>
    %sign3A_160 = arith.constant 1065353216 : i32
    %sign3A_161 = vector.broadcast %sign3A_160 : i32 to vector<16xi32>
    %sign3A_162 = arith.ori %sign3A_161, %sign3A_159 : vector<16xi32>
    %sign3A_163 = tpu.bitcast %sign3A_162 : vector<16xi32> -> vector<16xf32>
    %sign3A_164 = math.absf %get3A_153 : vector<16xf32>
    %sign3A_165 = arith.constant 0.000000e+00 : f32
    %sign3A_166 = vector.broadcast %sign3A_165 : f32 to vector<16xf32>
    %sign3A_167 = arith.cmpf ogt, %sign3A_164, %sign3A_166 : vector<16xf32>
    %sign3A_168 = arith.select %sign3A_167, %sign3A_163, %get3A_153 : vector<16xi1>, vector<16xf32>
    %add3A_169 = arith.addf %add3A_147, %sign3A_168 : vector<16xf32>
    %scan3A_170 = arith.constant 4 : i32
    %mul3A_171 = arith.constant 16 : i32
    %mul3A_172 = arith.muli %scan3A_170, %mul3A_171 : i32
    %get3A_173 = arith.index_cast %mul3A_172 : i32 to index
    %get3A_174 = tpu.vector_load %arg4[%get3A_173] {strides = array<i32>} : memref<512xf32, #tpu.memory_space<vmem>>, vector<16xf32>,
    %get3A_175 = vector.shape_cast %get3A_174 : vector<16xf32> to vector<16xf32>
    %abs3A_176 = math.absf %get3A_175 : vector<16xf32>
    %max3A_177 = arith.maximumf %max3A_155, %abs3A_176 : vector<16xf32>
    %sign3A_178 = tpu.bitcast %get3A_175 : vector<16xf32> -> vector<16xi32>
    %sign3A_179 = arith.constant -2147483648 : i32
    %sign3A_180 = vector.broadcast %sign3A_179 : i32 to vector<16xi32>
    %sign3A_181 = arith.andi %sign3A_178, %sign3A_180 : vector<16xi32>
    %sign3A_182 = arith.constant 1065353216 : i32
    %sign3A_183 = vector.broadcast %sign3A_182 : i32 to vector<16xi32>
    %sign3A_184 = arith.ori %sign3A_183, %sign3A_181 : vector<16xi32>
    %sign3A_185 = tpu.bitcast %sign3A_184 : vector<16xi32> -> vector<16xf32>
    %sign3A_186 = math.absf %get3A_175 : vector<16xf32>
    %sign3A_187 = arith.constant 0.000000e+00 : f32
    %sign3A_188 = vector.broadcast %sign3A_187 : f32 to vector<16xf32>
    %sign3A_189 = arith.cmpf ogt, %sign3A_186, %sign3A_188 : vector<16xf32>
    %sign3A_190 = arith.select %sign3A_189, %sign3A_185, %get3A_175 : vector<16xi1>, vector<16xf32>
    %add3A_191 = arith.addf %add3A_169, %sign3A_190 : vector<16xf32>
    %scan3A_192 = arith.constant 5 : i32
    %mul3A_193 = arith.constant 16 : i32
    %mul3A_194 = arith.muli %scan3A_192, %mul3A_193 : i32
    %get3A_195 = arith.index_cast %mul3A_194 : i32 to index
    %get3A_196 = tpu.vector_load %arg4[%get3A_195] {strides = array<i32>} : memref<512xf32, #tpu.memory_space<vmem>>, vector<16xf32>,
    %get3A_197 = vector.shape_cast %get3A_196 : vector<16xf32> to vector<16xf32>
    %abs3A_198 = math.absf %get3A_197 : vector<16xf32>
    %max3A_199 = arith.maximumf %max3A_177, %abs3A_198 : vector<16xf32>
    %sign3A_200 = tpu.bitcast %get3A_197 : vector<16xf32> -> vector<16xi32>
    %sign3A_201 = arith.constant -2147483648 : i32
    %sign3A_202 = vector.broadcast %sign3A_201 : i32 to vector<16xi32>
    %sign3A_203 = arith.andi %sign3A_200, %sign3A_202 : vector<16xi32>
    %sign3A_204 = arith.constant 1065353216 : i32
    %sign3A_205 = vector.broadcast %sign3A_204 : i32 to vector<16xi32>
    %sign3A_206 = arith.ori %sign3A_205, %sign3A_203 : vector<16xi32>
    %sign3A_207 = tpu.bitcast %sign3A_206 : vector<16xi32> -> vector<16xf32>
    %sign3A_208 = math.absf %get3A_197 : vector<16xf32>
    %sign3A_209 = arith.constant 0.000000e+00 : f32
    %sign3A_210 = vector.broadcast %sign3A_209 : f32 to vector<16xf32>
    %sign3A_211 = arith.cmpf ogt, %sign3A_208, %sign3A_210 : vector<16xf32>
    %sign3A_212 = arith.select %sign3A_211, %sign3A_207, %get3A_197 : vector<16xi1>, vector<16xf32>
    %add3A_213 = arith.addf %add3A_191, %sign3A_212 : vector<16xf32>
    %scan3A_214 = arith.constant 6 : i32
    %mul3A_215 = arith.constant 16 : i32
    %mul3A_216 = arith.muli %scan3A_214, %mul3A_215 : i32
    %get3A_217 = arith.index_cast %mul3A_216 : i32 to index
    %get3A_218 = tpu.vector_load %arg4[%get3A_217] {strides = array<i32>} : memref<512xf32, #tpu.memory_space<vmem>>, vector<16xf32>,
    %get3A_219 = vector.shape_cast %get3A_218 : vector<16xf32> to vector<16xf32>
    %abs3A_220 = math.absf %get3A_219 : vector<16xf32>
    %max3A_221 = arith.maximumf %max3A_199, %abs3A_220 : vector<16xf32>
    %sign3A_222 = tpu.bitcast %get3A_219 : vector<16xf32> -> vector<16xi32>
    %sign3A_223 = arith.constant -2147483648 : i32
    %sign3A_224 = vector.broadcast %sign3A_223 : i32 to vector<16xi32>
    %sign3A_225 = arith.andi %sign3A_222, %sign3A_224 : vector<16xi32>
    %sign3A_226 = arith.constant 1065353216 : i32
    %sign3A_227 = vector.broadcast %sign3A_226 : i32 to vector<16xi32>
    %sign3A_228 = arith.ori %sign3A_227, %sign3A_225 : vector<16xi32>
    %sign3A_229 = tpu.bitcast %sign3A_228 : vector<16xi32> -> vector<16xf32>
    %sign3A_230 = math.absf %get3A_219 : vector<16xf32>
    %sign3A_231 = arith.constant 0.000000e+00 : f32
    %sign3A_232 = vector.broadcast %sign3A_231 : f32 to vector<16xf32>
    %sign3A_233 = arith.cmpf ogt, %sign3A_230, %sign3A_232 : vector<16xf32>
    %sign3A_234 = arith.select %sign3A_233, %sign3A_229, %get3A_219 : vector<16xi1>, vector<16xf32>
    %add3A_235 = arith.addf %add3A_213, %sign3A_234 : vector<16xf32>
    %scan3A_236 = arith.constant 7 : i32
    %mul3A_237 = arith.constant 16 : i32
    %mul3A_238 = arith.muli %scan3A_236, %mul3A_237 : i32
    %get3A_239 = arith.index_cast %mul3A_238 : i32 to index
    %get3A_240 = tpu.vector_load %arg4[%get3A_239] {strides = array<i32>} : memref<512xf32, #tpu.memory_space<vmem>>, vector<16xf32>,
    %get3A_241 = vector.shape_cast %get3A_240 : vector<16xf32> to vector<16xf32>
    %abs3A_242 = math.absf %get3A_241 : vector<16xf32>
    %max3A_243 = arith.maximumf %max3A_221, %abs3A_242 : vector<16xf32>
    %sign3A_244 = tpu.bitcast %get3A_241 : vector<16xf32> -> vector<16xi32>
    %sign3A_245 = arith.constant -2147483648 : i32
    %sign3A_246 = vector.broadcast %sign3A_245 : i32 to vector<16xi32>
    %sign3A_247 = arith.andi %sign3A_244, %sign3A_246 : vector<16xi32>
    %sign3A_248 = arith.constant 1065353216 : i32
    %sign3A_249 = vector.broadcast %sign3A_248 : i32 to vector<16xi32>
    %sign3A_250 = arith.ori %sign3A_249, %sign3A_247 : vector<16xi32>
    %sign3A_251 = tpu.bitcast %sign3A_250 : vector<16xi32> -> vector<16xf32>
    %sign3A_252 = math.absf %get3A_241 : vector<16xf32>
    %sign3A_253 = arith.constant 0.000000e+00 : f32
    %sign3A_254 = vector.broadcast %sign3A_253 : f32 to vector<16xf32>
    %sign3A_255 = arith.cmpf ogt, %sign3A_252, %sign3A_254 : vector<16xf32>
    %sign3A_256 = arith.select %sign3A_255, %sign3A_251, %get3A_241 : vector<16xi1>, vector<16xf32>
    %add3A_257 = arith.addf %add3A_235, %sign3A_256 : vector<16xf32>
    %scan3A_258 = arith.constant 8 : i32
    %mul3A_259 = arith.constant 16 : i32
    %mul3A_260 = arith.muli %scan3A_258, %mul3A_259 : i32
    %get3A_261 = arith.index_cast %mul3A_260 : i32 to index
    %get3A_262 = tpu.vector_load %arg4[%get3A_261] {strides = array<i32>} : memref<512xf32, #tpu.memory_space<vmem>>, vector<16xf32>,
    %get3A_263 = vector.shape_cast %get3A_262 : vector<16xf32> to vector<16xf32>
    %abs3A_264 = math.absf %get3A_263 : vector<16xf32>
    %max3A_265 = arith.maximumf %max3A_243, %abs3A_264 : vector<16xf32>
    %sign3A_266 = tpu.bitcast %get3A_263 : vector<16xf32> -> vector<16xi32>
    %sign3A_267 = arith.constant -2147483648 : i32
    %sign3A_268 = vector.broadcast %sign3A_267 : i32 to vector<16xi32>
    %sign3A_269 = arith.andi %sign3A_266, %sign3A_268 : vector<16xi32>
    %sign3A_270 = arith.constant 1065353216 : i32
    %sign3A_271 = vector.broadcast %sign3A_270 : i32 to vector<16xi32>
    %sign3A_272 = arith.ori %sign3A_271, %sign3A_269 : vector<16xi32>
    %sign3A_273 = tpu.bitcast %sign3A_272 : vector<16xi32> -> vector<16xf32>
    %sign3A_274 = math.absf %get3A_263 : vector<16xf32>
    %sign3A_275 = arith.constant 0.000000e+00 : f32
    %sign3A_276 = vector.broadcast %sign3A_275 : f32 to vector<16xf32>
    %sign3A_277 = arith.cmpf ogt, %sign3A_274, %sign3A_276 : vector<16xf32>
    %sign3A_278 = arith.select %sign3A_277, %sign3A_273, %get3A_263 : vector<16xi1>, vector<16xf32>
    %add3A_279 = arith.addf %add3A_257, %sign3A_278 : vector<16xf32>
    %scan3A_280 = arith.constant 9 : i32
    %mul3A_281 = arith.constant 16 : i32
    %mul3A_282 = arith.muli %scan3A_280, %mul3A_281 : i32
    %get3A_283 = arith.index_cast %mul3A_282 : i32 to index
    %get3A_284 = tpu.vector_load %arg4[%get3A_283] {strides = array<i32>} : memref<512xf32, #tpu.memory_space<vmem>>, vector<16xf32>,
    %get3A_285 = vector.shape_cast %get3A_284 : vector<16xf32> to vector<16xf32>
    %abs3A_286 = math.absf %get3A_285 : vector<16xf32>
    %max3A_287 = arith.maximumf %max3A_265, %abs3A_286 : vector<16xf32>
    %sign3A_288 = tpu.bitcast %get3A_285 : vector<16xf32> -> vector<16xi32>
    %sign3A_289 = arith.constant -2147483648 : i32
    %sign3A_290 = vector.broadcast %sign3A_289 : i32 to vector<16xi32>
    %sign3A_291 = arith.andi %sign3A_288, %sign3A_290 : vector<16xi32>
    %sign3A_292 = arith.constant 1065353216 : i32
    %sign3A_293 = vector.broadcast %sign3A_292 : i32 to vector<16xi32>
    %sign3A_294 = arith.ori %sign3A_293, %sign3A_291 : vector<16xi32>
    %sign3A_295 = tpu.bitcast %sign3A_294 : vector<16xi32> -> vector<16xf32>
    %sign3A_296 = math.absf %get3A_285 : vector<16xf32>
    %sign3A_297 = arith.constant 0.000000e+00 : f32
    %sign3A_298 = vector.broadcast %sign3A_297 : f32 to vector<16xf32>
    %sign3A_299 = arith.cmpf ogt, %sign3A_296, %sign3A_298 : vector<16xf32>
    %sign3A_300 = arith.select %sign3A_299, %sign3A_295, %get3A_285 : vector<16xi1>, vector<16xf32>
    %add3A_301 = arith.addf %add3A_279, %sign3A_300 : vector<16xf32>
    %scan3A_302 = arith.constant 10 : i32
    %mul3A_303 = arith.constant 16 : i32
    %mul3A_304 = arith.muli %scan3A_302, %mul3A_303 : i32
    %get3A_305 = arith.index_cast %mul3A_304 : i32 to index
    %get3A_306 = tpu.vector_load %arg4[%get3A_305] {strides = array<i32>} : memref<512xf32, #tpu.memory_space<vmem>>, vector<16xf32>,
    %get3A_307 = vector.shape_cast %get3A_306 : vector<16xf32> to vector<16xf32>
    %abs3A_308 = math.absf %get3A_307 : vector<16xf32>
    %max3A_309 = arith.maximumf %max3A_287, %abs3A_308 : vector<16xf32>
    %sign3A_310 = tpu.bitcast %get3A_307 : vector<16xf32> -> vector<16xi32>
    %sign3A_311 = arith.constant -2147483648 : i32
    %sign3A_312 = vector.broadcast %sign3A_311 : i32 to vector<16xi32>
    %sign3A_313 = arith.andi %sign3A_310, %sign3A_312 : vector<16xi32>
    %sign3A_314 = arith.constant 1065353216 : i32
    %sign3A_315 = vector.broadcast %sign3A_314 : i32 to vector<16xi32>
    %sign3A_316 = arith.ori %sign3A_315, %sign3A_313 : vector<16xi32>
    %sign3A_317 = tpu.bitcast %sign3A_316 : vector<16xi32> -> vector<16xf32>
    %sign3A_318 = math.absf %get3A_307 : vector<16xf32>
    %sign3A_319 = arith.constant 0.000000e+00 : f32
    %sign3A_320 = vector.broadcast %sign3A_319 : f32 to vector<16xf32>
    %sign3A_321 = arith.cmpf ogt, %sign3A_318, %sign3A_320 : vector<16xf32>
    %sign3A_322 = arith.select %sign3A_321, %sign3A_317, %get3A_307 : vector<16xi1>, vector<16xf32>
    %add3A_323 = arith.addf %add3A_301, %sign3A_322 : vector<16xf32>
    %scan3A_324 = arith.constant 11 : i32
    %mul3A_325 = arith.constant 16 : i32
    %mul3A_326 = arith.muli %scan3A_324, %mul3A_325 : i32
    %get3A_327 = arith.index_cast %mul3A_326 : i32 to index
    %get3A_328 = tpu.vector_load %arg4[%get3A_327] {strides = array<i32>} : memref<512xf32, #tpu.memory_space<vmem>>, vector<16xf32>,
    %get3A_329 = vector.shape_cast %get3A_328 : vector<16xf32> to vector<16xf32>
    %abs3A_330 = math.absf %get3A_329 : vector<16xf32>
    %max3A_331 = arith.maximumf %max3A_309, %abs3A_330 : vector<16xf32>
    %sign3A_332 = tpu.bitcast %get3A_329 : vector<16xf32> -> vector<16xi32>
    %sign3A_333 = arith.constant -2147483648 : i32
    %sign3A_334 = vector.broadcast %sign3A_333 : i32 to vector<16xi32>
    %sign3A_335 = arith.andi %sign3A_332, %sign3A_334 : vector<16xi32>
    %sign3A_336 = arith.constant 1065353216 : i32
    %sign3A_337 = vector.broadcast %sign3A_336 : i32 to vector<16xi32>
    %sign3A_338 = arith.ori %sign3A_337, %sign3A_335 : vector<16xi32>
    %sign3A_339 = tpu.bitcast %sign3A_338 : vector<16xi32> -> vector<16xf32>
    %sign3A_340 = math.absf %get3A_329 : vector<16xf32>
    %sign3A_341 = arith.constant 0.000000e+00 : f32
    %sign3A_342 = vector.broadcast %sign3A_341 : f32 to vector<16xf32>
    %sign3A_343 = arith.cmpf ogt, %sign3A_340, %sign3A_342 : vector<16xf32>
    %sign3A_344 = arith.select %sign3A_343, %sign3A_339, %get3A_329 : vector<16xi1>, vector<16xf32>
    %add3A_345 = arith.addf %add3A_323, %sign3A_344 : vector<16xf32>
    %scan3A_346 = arith.constant 12 : i32
    %mul3A_347 = arith.constant 16 : i32
    %mul3A_348 = arith.muli %scan3A_346, %mul3A_347 : i32
    %get3A_349 = arith.index_cast %mul3A_348 : i32 to index
    %get3A_350 = tpu.vector_load %arg4[%get3A_349] {strides = array<i32>} : memref<512xf32, #tpu.memory_space<vmem>>, vector<16xf32>,
    %get3A_351 = vector.shape_cast %get3A_350 : vector<16xf32> to vector<16xf32>
    %abs3A_352 = math.absf %get3A_351 : vector<16xf32>
    %max3A_353 = arith.maximumf %max3A_331, %abs3A_352 : vector<16xf32>
    %sign3A_354 = tpu.bitcast %get3A_351 : vector<16xf32> -> vector<16xi32>
    %sign3A_355 = arith.constant -2147483648 : i32
    %sign3A_356 = vector.broadcast %sign3A_355 : i32 to vector<16xi32>
    %sign3A_357 = arith.andi %sign3A_354, %sign3A_356 : vector<16xi32>
    %sign3A_358 = arith.constant 1065353216 : i32
    %sign3A_359 = vector.broadcast %sign3A_358 : i32 to vector<16xi32>
    %sign3A_360 = arith.ori %sign3A_359, %sign3A_357 : vector<16xi32>
    %sign3A_361 = tpu.bitcast %sign3A_360 : vector<16xi32> -> vector<16xf32>
    %sign3A_362 = math.absf %get3A_351 : vector<16xf32>
    %sign3A_363 = arith.constant 0.000000e+00 : f32
    %sign3A_364 = vector.broadcast %sign3A_363 : f32 to vector<16xf32>
    %sign3A_365 = arith.cmpf ogt, %sign3A_362, %sign3A_364 : vector<16xf32>
    %sign3A_366 = arith.select %sign3A_365, %sign3A_361, %get3A_351 : vector<16xi1>, vector<16xf32>
    %add3A_367 = arith.addf %add3A_345, %sign3A_366 : vector<16xf32>
    %scan3A_368 = arith.constant 13 : i32
    %mul3A_369 = arith.constant 16 : i32
    %mul3A_370 = arith.muli %scan3A_368, %mul3A_369 : i32
    %get3A_371 = arith.index_cast %mul3A_370 : i32 to index
    %get3A_372 = tpu.vector_load %arg4[%get3A_371] {strides = array<i32>} : memref<512xf32, #tpu.memory_space<vmem>>, vector<16xf32>,
    %get3A_373 = vector.shape_cast %get3A_372 : vector<16xf32> to vector<16xf32>
    %abs3A_374 = math.absf %get3A_373 : vector<16xf32>
    %max3A_375 = arith.maximumf %max3A_353, %abs3A_374 : vector<16xf32>
    %sign3A_376 = tpu.bitcast %get3A_373 : vector<16xf32> -> vector<16xi32>
    %sign3A_377 = arith.constant -2147483648 : i32
    %sign3A_378 = vector.broadcast %sign3A_377 : i32 to vector<16xi32>
    %sign3A_379 = arith.andi %sign3A_376, %sign3A_378 : vector<16xi32>
    %sign3A_380 = arith.constant 1065353216 : i32
    %sign3A_381 = vector.broadcast %sign3A_380 : i32 to vector<16xi32>
    %sign3A_382 = arith.ori %sign3A_381, %sign3A_379 : vector<16xi32>
    %sign3A_383 = tpu.bitcast %sign3A_382 : vector<16xi32> -> vector<16xf32>
    %sign3A_384 = math.absf %get3A_373 : vector<16xf32>
    %sign3A_385 = arith.constant 0.000000e+00 : f32
    %sign3A_386 = vector.broadcast %sign3A_385 : f32 to vector<16xf32>
    %sign3A_387 = arith.cmpf ogt, %sign3A_384, %sign3A_386 : vector<16xf32>
    %sign3A_388 = arith.select %sign3A_387, %sign3A_383, %get3A_373 : vector<16xi1>, vector<16xf32>
    %add3A_389 = arith.addf %add3A_367, %sign3A_388 : vector<16xf32>
    %scan3A_390 = arith.constant 14 : i32
    %mul3A_391 = arith.constant 16 : i32
    %mul3A_392 = arith.muli %scan3A_390, %mul3A_391 : i32
    %get3A_393 = arith.index_cast %mul3A_392 : i32 to index
    %get3A_394 = tpu.vector_load %arg4[%get3A_393] {strides = array<i32>} : memref<512xf32, #tpu.memory_space<vmem>>, vector<16xf32>,
    %get3A_395 = vector.shape_cast %get3A_394 : vector<16xf32> to vector<16xf32>
    %abs3A_396 = math.absf %get3A_395 : vector<16xf32>
    %max3A_397 = arith.maximumf %max3A_375, %abs3A_396 : vector<16xf32>
    %sign3A_398 = tpu.bitcast %get3A_395 : vector<16xf32> -> vector<16xi32>
    %sign3A_399 = arith.constant -2147483648 : i32
    %sign3A_400 = vector.broadcast %sign3A_399 : i32 to vector<16xi32>
    %sign3A_401 = arith.andi %sign3A_398, %sign3A_400 : vector<16xi32>
    %sign3A_402 = arith.constant 1065353216 : i32
    %sign3A_403 = vector.broadcast %sign3A_402 : i32 to vector<16xi32>
    %sign3A_404 = arith.ori %sign3A_403, %sign3A_401 : vector<16xi32>
    %sign3A_405 = tpu.bitcast %sign3A_404 : vector<16xi32> -> vector<16xf32>
    %sign3A_406 = math.absf %get3A_395 : vector<16xf32>
    %sign3A_407 = arith.constant 0.000000e+00 : f32
    %sign3A_408 = vector.broadcast %sign3A_407 : f32 to vector<16xf32>
    %sign3A_409 = arith.cmpf ogt, %sign3A_406, %sign3A_408 : vector<16xf32>
    %sign3A_410 = arith.select %sign3A_409, %sign3A_405, %get3A_395 : vector<16xi1>, vector<16xf32>
    %add3A_411 = arith.addf %add3A_389, %sign3A_410 : vector<16xf32>
    %scan3A_412 = arith.constant 15 : i32
    %mul3A_413 = arith.constant 16 : i32
    %mul3A_414 = arith.muli %scan3A_412, %mul3A_413 : i32
    %get3A_415 = arith.index_cast %mul3A_414 : i32 to index
    %get3A_416 = tpu.vector_load %arg4[%get3A_415] {strides = array<i32>} : memref<512xf32, #tpu.memory_space<vmem>>, vector<16xf32>,
    %get3A_417 = vector.shape_cast %get3A_416 : vector<16xf32> to vector<16xf32>
    %abs3A_418 = math.absf %get3A_417 : vector<16xf32>
    %max3A_419 = arith.maximumf %max3A_397, %abs3A_418 : vector<16xf32>
    %sign3A_420 = tpu.bitcast %get3A_417 : vector<16xf32> -> vector<16xi32>
    %sign3A_421 = arith.constant -2147483648 : i32
    %sign3A_422 = vector.broadcast %sign3A_421 : i32 to vector<16xi32>
    %sign3A_423 = arith.andi %sign3A_420, %sign3A_422 : vector<16xi32>
    %sign3A_424 = arith.constant 1065353216 : i32
    %sign3A_425 = vector.broadcast %sign3A_424 : i32 to vector<16xi32>
    %sign3A_426 = arith.ori %sign3A_425, %sign3A_423 : vector<16xi32>
    %sign3A_427 = tpu.bitcast %sign3A_426 : vector<16xi32> -> vector<16xf32>
    %sign3A_428 = math.absf %get3A_417 : vector<16xf32>
    %sign3A_429 = arith.constant 0.000000e+00 : f32
    %sign3A_430 = vector.broadcast %sign3A_429 : f32 to vector<16xf32>
    %sign3A_431 = arith.cmpf ogt, %sign3A_428, %sign3A_430 : vector<16xf32>
    %sign3A_432 = arith.select %sign3A_431, %sign3A_427, %get3A_417 : vector<16xi1>, vector<16xf32>
    %add3A_433 = arith.addf %add3A_411, %sign3A_432 : vector<16xf32>
    %scan3A_434 = arith.constant 16 : i32
    %dma_wait3A_435 = arith.constant 256 : i32
    %dma_wait3A_436 = tpu.memref_slice %arg4[%dma_wait3A_435] : memref<512xf32, #tpu.memory_space<vmem>> -> memref<256xf32, #tpu.memory_space<vmem>>
    %dma_wait3A_437 = tpu.memref_slice %arg2[%add3A, %add3A_69] : memref<8x2048xf32, #tpu.memory_space<hbm>> -> memref<1x256xf32, #tpu.memory_space<hbm>>
    %dma_wait3A_438 = tpu.memref_squeeze %dma_wait3A_437 : memref<1x256xf32, #tpu.memory_space<hbm>> -> memref<256xf32, #tpu.memory_space<hbm>>
    %dma_wait3A_439 = arith.constant 256 : i32
    %dma_wait3A_440 = tpu.memref_slice %arg4[%dma_wait3A_439] : memref<512xf32, #tpu.memory_space<vmem>> -> memref<256xf32, #tpu.memory_space<vmem>>
    %dma_wait3A_441 = tpu.memref_slice %arg2[%add3A, %add3A_69] : memref<8x2048xf32, #tpu.memory_space<hbm>> -> memref<1x256xf32, #tpu.memory_space<hbm>>
    %dma_wait3A_442 = tpu.memref_squeeze %dma_wait3A_441 : memref<1x256xf32, #tpu.memory_space<hbm>> -> memref<256xf32, #tpu.memory_space<hbm>>
    tpu.wait_dma2 semaphore(%arg10 : memref<!tpu.dma_semaphore, #tpu.memory_space<semaphore_mem>>) src(%dma_wait3A_442 : memref<256xf32, #tpu.memory_space<hbm>>) dst(%dma_wait3A_440 : memref<256xf32, #tpu.memory_space<vmem>>)
    %scan3A_443 = arith.constant 16 : i32
    %mul3A_444 = arith.constant 16 : i32
    %mul3A_445 = arith.muli %scan3A_443, %mul3A_444 : i32
    %get3A_446 = arith.index_cast %mul3A_445 : i32 to index
    %get3A_447 = tpu.vector_load %arg4[%get3A_446] {strides = array<i32>} : memref<512xf32, #tpu.memory_space<vmem>>, vector<16xf32>,
    %get3A_448 = vector.shape_cast %get3A_447 : vector<16xf32> to vector<16xf32>
    %abs3A_449 = math.absf %get3A_448 : vector<16xf32>
    %max3A_450 = arith.maximumf %max3A_419, %abs3A_449 : vector<16xf32>
    %sign3A_451 = tpu.bitcast %get3A_448 : vector<16xf32> -> vector<16xi32>
    %sign3A_452 = arith.constant -2147483648 : i32
    %sign3A_453 = vector.broadcast %sign3A_452 : i32 to vector<16xi32>
    %sign3A_454 = arith.andi %sign3A_451, %sign3A_453 : vector<16xi32>
    %sign3A_455 = arith.constant 1065353216 : i32
    %sign3A_456 = vector.broadcast %sign3A_455 : i32 to vector<16xi32>
    %sign3A_457 = arith.ori %sign3A_456, %sign3A_454 : vector<16xi32>
    %sign3A_458 = tpu.bitcast %sign3A_457 : vector<16xi32> -> vector<16xf32>
    %sign3A_459 = math.absf %get3A_448 : vector<16xf32>
    %sign3A_460 = arith.constant 0.000000e+00 : f32
    %sign3A_461 = vector.broadcast %sign3A_460 : f32 to vector<16xf32>
    %sign3A_462 = arith.cmpf ogt, %sign3A_459, %sign3A_461 : vector<16xf32>
    %sign3A_463 = arith.select %sign3A_462, %sign3A_458, %get3A_448 : vector<16xi1>, vector<16xf32>
    %add3A_464 = arith.addf %add3A_433, %sign3A_463 : vector<16xf32>
    %scan3A_465 = arith.constant 17 : i32
    %mul3A_466 = arith.constant 16 : i32
    %mul3A_467 = arith.muli %scan3A_465, %mul3A_466 : i32
    %get3A_468 = arith.index_cast %mul3A_467 : i32 to index
    %get3A_469 = tpu.vector_load %arg4[%get3A_468] {strides = array<i32>} : memref<512xf32, #tpu.memory_space<vmem>>, vector<16xf32>,
    %get3A_470 = vector.shape_cast %get3A_469 : vector<16xf32> to vector<16xf32>
    %abs3A_471 = math.absf %get3A_470 : vector<16xf32>
    %max3A_472 = arith.maximumf %max3A_450, %abs3A_471 : vector<16xf32>
    %sign3A_473 = tpu.bitcast %get3A_470 : vector<16xf32> -> vector<16xi32>
    %sign3A_474 = arith.constant -2147483648 : i32
    %sign3A_475 = vector.broadcast %sign3A_474 : i32 to vector<16xi32>
    %sign3A_476 = arith.andi %sign3A_473, %sign3A_475 : vector<16xi32>
    %sign3A_477 = arith.constant 1065353216 : i32
    %sign3A_478 = vector.broadcast %sign3A_477 : i32 to vector<16xi32>
    %sign3A_479 = arith.ori %sign3A_478, %sign3A_476 : vector<16xi32>
    %sign3A_480 = tpu.bitcast %sign3A_479 : vector<16xi32> -> vector<16xf32>
    %sign3A_481 = math.absf %get3A_470 : vector<16xf32>
    %sign3A_482 = arith.constant 0.000000e+00 : f32
    %sign3A_483 = vector.broadcast %sign3A_482 : f32 to vector<16xf32>
    %sign3A_484 = arith.cmpf ogt, %sign3A_481, %sign3A_483 : vector<16xf32>
    %sign3A_485 = arith.select %sign3A_484, %sign3A_480, %get3A_470 : vector<16xi1>, vector<16xf32>
    %add3A_486 = arith.addf %add3A_464, %sign3A_485 : vector<16xf32>
    %scan3A_487 = arith.constant 18 : i32
    %mul3A_488 = arith.constant 16 : i32
    %mul3A_489 = arith.muli %scan3A_487, %mul3A_488 : i32
    %get3A_490 = arith.index_cast %mul3A_489 : i32 to index
    %get3A_491 = tpu.vector_load %arg4[%get3A_490] {strides = array<i32>} : memref<512xf32, #tpu.memory_space<vmem>>, vector<16xf32>,
    %get3A_492 = vector.shape_cast %get3A_491 : vector<16xf32> to vector<16xf32>
    %abs3A_493 = math.absf %get3A_492 : vector<16xf32>
    %max3A_494 = arith.maximumf %max3A_472, %abs3A_493 : vector<16xf32>
    %sign3A_495 = tpu.bitcast %get3A_492 : vector<16xf32> -> vector<16xi32>
    %sign3A_496 = arith.constant -2147483648 : i32
    %sign3A_497 = vector.broadcast %sign3A_496 : i32 to vector<16xi32>
    %sign3A_498 = arith.andi %sign3A_495, %sign3A_497 : vector<16xi32>
    %sign3A_499 = arith.constant 1065353216 : i32
    %sign3A_500 = vector.broadcast %sign3A_499 : i32 to vector<16xi32>
    %sign3A_501 = arith.ori %sign3A_500, %sign3A_498 : vector<16xi32>
    %sign3A_502 = tpu.bitcast %sign3A_501 : vector<16xi32> -> vector<16xf32>
    %sign3A_503 = math.absf %get3A_492 : vector<16xf32>
    %sign3A_504 = arith.constant 0.000000e+00 : f32
    %sign3A_505 = vector.broadcast %sign3A_504 : f32 to vector<16xf32>
    %sign3A_506 = arith.cmpf ogt, %sign3A_503, %sign3A_505 : vector<16xf32>
    %sign3A_507 = arith.select %sign3A_506, %sign3A_502, %get3A_492 : vector<16xi1>, vector<16xf32>
    %add3A_508 = arith.addf %add3A_486, %sign3A_507 : vector<16xf32>
    %scan3A_509 = arith.constant 19 : i32
    %mul3A_510 = arith.constant 16 : i32
    %mul3A_511 = arith.muli %scan3A_509, %mul3A_510 : i32
    %get3A_512 = arith.index_cast %mul3A_511 : i32 to index
    %get3A_513 = tpu.vector_load %arg4[%get3A_512] {strides = array<i32>} : memref<512xf32, #tpu.memory_space<vmem>>, vector<16xf32>,
    %get3A_514 = vector.shape_cast %get3A_513 : vector<16xf32> to vector<16xf32>
    %abs3A_515 = math.absf %get3A_514 : vector<16xf32>
    %max3A_516 = arith.maximumf %max3A_494, %abs3A_515 : vector<16xf32>
    %sign3A_517 = tpu.bitcast %get3A_514 : vector<16xf32> -> vector<16xi32>
    %sign3A_518 = arith.constant -2147483648 : i32
    %sign3A_519 = vector.broadcast %sign3A_518 : i32 to vector<16xi32>
    %sign3A_520 = arith.andi %sign3A_517, %sign3A_519 : vector<16xi32>
    %sign3A_521 = arith.constant 1065353216 : i32
    %sign3A_522 = vector.broadcast %sign3A_521 : i32 to vector<16xi32>
    %sign3A_523 = arith.ori %sign3A_522, %sign3A_520 : vector<16xi32>
    %sign3A_524 = tpu.bitcast %sign3A_523 : vector<16xi32> -> vector<16xf32>
    %sign3A_525 = math.absf %get3A_514 : vector<16xf32>
    %sign3A_526 = arith.constant 0.000000e+00 : f32
    %sign3A_527 = vector.broadcast %sign3A_526 : f32 to vector<16xf32>
    %sign3A_528 = arith.cmpf ogt, %sign3A_525, %sign3A_527 : vector<16xf32>
    %sign3A_529 = arith.select %sign3A_528, %sign3A_524, %get3A_514 : vector<16xi1>, vector<16xf32>
    %add3A_530 = arith.addf %add3A_508, %sign3A_529 : vector<16xf32>
    %scan3A_531 = arith.constant 20 : i32
    %mul3A_532 = arith.constant 16 : i32
    %mul3A_533 = arith.muli %scan3A_531, %mul3A_532 : i32
    %get3A_534 = arith.index_cast %mul3A_533 : i32 to index
    %get3A_535 = tpu.vector_load %arg4[%get3A_534] {strides = array<i32>} : memref<512xf32, #tpu.memory_space<vmem>>, vector<16xf32>,
    %get3A_536 = vector.shape_cast %get3A_535 : vector<16xf32> to vector<16xf32>
    %abs3A_537 = math.absf %get3A_536 : vector<16xf32>
    %max3A_538 = arith.maximumf %max3A_516, %abs3A_537 : vector<16xf32>
    %sign3A_539 = tpu.bitcast %get3A_536 : vector<16xf32> -> vector<16xi32>
    %sign3A_540 = arith.constant -2147483648 : i32
    %sign3A_541 = vector.broadcast %sign3A_540 : i32 to vector<16xi32>
    %sign3A_542 = arith.andi %sign3A_539, %sign3A_541 : vector<16xi32>
    %sign3A_543 = arith.constant 1065353216 : i32
    %sign3A_544 = vector.broadcast %sign3A_543 : i32 to vector<16xi32>
    %sign3A_545 = arith.ori %sign3A_544, %sign3A_542 : vector<16xi32>
    %sign3A_546 = tpu.bitcast %sign3A_545 : vector<16xi32> -> vector<16xf32>
    %sign3A_547 = math.absf %get3A_536 : vector<16xf32>
    %sign3A_548 = arith.constant 0.000000e+00 : f32
    %sign3A_549 = vector.broadcast %sign3A_548 : f32 to vector<16xf32>
    %sign3A_550 = arith.cmpf ogt, %sign3A_547, %sign3A_549 : vector<16xf32>
    %sign3A_551 = arith.select %sign3A_550, %sign3A_546, %get3A_536 : vector<16xi1>, vector<16xf32>
    %add3A_552 = arith.addf %add3A_530, %sign3A_551 : vector<16xf32>
    %scan3A_553 = arith.constant 21 : i32
    %mul3A_554 = arith.constant 16 : i32
    %mul3A_555 = arith.muli %scan3A_553, %mul3A_554 : i32
    %get3A_556 = arith.index_cast %mul3A_555 : i32 to index
    %get3A_557 = tpu.vector_load %arg4[%get3A_556] {strides = array<i32>} : memref<512xf32, #tpu.memory_space<vmem>>, vector<16xf32>,
    %get3A_558 = vector.shape_cast %get3A_557 : vector<16xf32> to vector<16xf32>
    %abs3A_559 = math.absf %get3A_558 : vector<16xf32>
    %max3A_560 = arith.maximumf %max3A_538, %abs3A_559 : vector<16xf32>
    %sign3A_561 = tpu.bitcast %get3A_558 : vector<16xf32> -> vector<16xi32>
    %sign3A_562 = arith.constant -2147483648 : i32
    %sign3A_563 = vector.broadcast %sign3A_562 : i32 to vector<16xi32>
    %sign3A_564 = arith.andi %sign3A_561, %sign3A_563 : vector<16xi32>
    %sign3A_565 = arith.constant 1065353216 : i32
    %sign3A_566 = vector.broadcast %sign3A_565 : i32 to vector<16xi32>
    %sign3A_567 = arith.ori %sign3A_566, %sign3A_564 : vector<16xi32>
    %sign3A_568 = tpu.bitcast %sign3A_567 : vector<16xi32> -> vector<16xf32>
    %sign3A_569 = math.absf %get3A_558 : vector<16xf32>
    %sign3A_570 = arith.constant 0.000000e+00 : f32
    %sign3A_571 = vector.broadcast %sign3A_570 : f32 to vector<16xf32>
    %sign3A_572 = arith.cmpf ogt, %sign3A_569, %sign3A_571 : vector<16xf32>
    %sign3A_573 = arith.select %sign3A_572, %sign3A_568, %get3A_558 : vector<16xi1>, vector<16xf32>
    %add3A_574 = arith.addf %add3A_552, %sign3A_573 : vector<16xf32>
    %scan3A_575 = arith.constant 22 : i32
    %mul3A_576 = arith.constant 16 : i32
    %mul3A_577 = arith.muli %scan3A_575, %mul3A_576 : i32
    %get3A_578 = arith.index_cast %mul3A_577 : i32 to index
    %get3A_579 = tpu.vector_load %arg4[%get3A_578] {strides = array<i32>} : memref<512xf32, #tpu.memory_space<vmem>>, vector<16xf32>,
    %get3A_580 = vector.shape_cast %get3A_579 : vector<16xf32> to vector<16xf32>
    %abs3A_581 = math.absf %get3A_580 : vector<16xf32>
    %max3A_582 = arith.maximumf %max3A_560, %abs3A_581 : vector<16xf32>
    %sign3A_583 = tpu.bitcast %get3A_580 : vector<16xf32> -> vector<16xi32>
    %sign3A_584 = arith.constant -2147483648 : i32
    %sign3A_585 = vector.broadcast %sign3A_584 : i32 to vector<16xi32>
    %sign3A_586 = arith.andi %sign3A_583, %sign3A_585 : vector<16xi32>
    %sign3A_587 = arith.constant 1065353216 : i32
    %sign3A_588 = vector.broadcast %sign3A_587 : i32 to vector<16xi32>
    %sign3A_589 = arith.ori %sign3A_588, %sign3A_586 : vector<16xi32>
    %sign3A_590 = tpu.bitcast %sign3A_589 : vector<16xi32> -> vector<16xf32>
    %sign3A_591 = math.absf %get3A_580 : vector<16xf32>
    %sign3A_592 = arith.constant 0.000000e+00 : f32
    %sign3A_593 = vector.broadcast %sign3A_592 : f32 to vector<16xf32>
    %sign3A_594 = arith.cmpf ogt, %sign3A_591, %sign3A_593 : vector<16xf32>
    %sign3A_595 = arith.select %sign3A_594, %sign3A_590, %get3A_580 : vector<16xi1>, vector<16xf32>
    %add3A_596 = arith.addf %add3A_574, %sign3A_595 : vector<16xf32>
    %scan3A_597 = arith.constant 23 : i32
    %mul3A_598 = arith.constant 16 : i32
    %mul3A_599 = arith.muli %scan3A_597, %mul3A_598 : i32
    %get3A_600 = arith.index_cast %mul3A_599 : i32 to index
    %get3A_601 = tpu.vector_load %arg4[%get3A_600] {strides = array<i32>} : memref<512xf32, #tpu.memory_space<vmem>>, vector<16xf32>,
    %get3A_602 = vector.shape_cast %get3A_601 : vector<16xf32> to vector<16xf32>
    %abs3A_603 = math.absf %get3A_602 : vector<16xf32>
    %max3A_604 = arith.maximumf %max3A_582, %abs3A_603 : vector<16xf32>
    %sign3A_605 = tpu.bitcast %get3A_602 : vector<16xf32> -> vector<16xi32>
    %sign3A_606 = arith.constant -2147483648 : i32
    %sign3A_607 = vector.broadcast %sign3A_606 : i32 to vector<16xi32>
    %sign3A_608 = arith.andi %sign3A_605, %sign3A_607 : vector<16xi32>
    %sign3A_609 = arith.constant 1065353216 : i32
    %sign3A_610 = vector.broadcast %sign3A_609 : i32 to vector<16xi32>
    %sign3A_611 = arith.ori %sign3A_610, %sign3A_608 : vector<16xi32>
    %sign3A_612 = tpu.bitcast %sign3A_611 : vector<16xi32> -> vector<16xf32>
    %sign3A_613 = math.absf %get3A_602 : vector<16xf32>
    %sign3A_614 = arith.constant 0.000000e+00 : f32
    %sign3A_615 = vector.broadcast %sign3A_614 : f32 to vector<16xf32>
    %sign3A_616 = arith.cmpf ogt, %sign3A_613, %sign3A_615 : vector<16xf32>
    %sign3A_617 = arith.select %sign3A_616, %sign3A_612, %get3A_602 : vector<16xi1>, vector<16xf32>
    %add3A_618 = arith.addf %add3A_596, %sign3A_617 : vector<16xf32>
    %scan3A_619 = arith.constant 24 : i32
    %mul3A_620 = arith.constant 16 : i32
    %mul3A_621 = arith.muli %scan3A_619, %mul3A_620 : i32
    %get3A_622 = arith.index_cast %mul3A_621 : i32 to index
    %get3A_623 = tpu.vector_load %arg4[%get3A_622] {strides = array<i32>} : memref<512xf32, #tpu.memory_space<vmem>>, vector<16xf32>,
    %get3A_624 = vector.shape_cast %get3A_623 : vector<16xf32> to vector<16xf32>
    %abs3A_625 = math.absf %get3A_624 : vector<16xf32>
    %max3A_626 = arith.maximumf %max3A_604, %abs3A_625 : vector<16xf32>
    %sign3A_627 = tpu.bitcast %get3A_624 : vector<16xf32> -> vector<16xi32>
    %sign3A_628 = arith.constant -2147483648 : i32
    %sign3A_629 = vector.broadcast %sign3A_628 : i32 to vector<16xi32>
    %sign3A_630 = arith.andi %sign3A_627, %sign3A_629 : vector<16xi32>
    %sign3A_631 = arith.constant 1065353216 : i32
    %sign3A_632 = vector.broadcast %sign3A_631 : i32 to vector<16xi32>
    %sign3A_633 = arith.ori %sign3A_632, %sign3A_630 : vector<16xi32>
    %sign3A_634 = tpu.bitcast %sign3A_633 : vector<16xi32> -> vector<16xf32>
    %sign3A_635 = math.absf %get3A_624 : vector<16xf32>
    %sign3A_636 = arith.constant 0.000000e+00 : f32
    %sign3A_637 = vector.broadcast %sign3A_636 : f32 to vector<16xf32>
    %sign3A_638 = arith.cmpf ogt, %sign3A_635, %sign3A_637 : vector<16xf32>
    %sign3A_639 = arith.select %sign3A_638, %sign3A_634, %get3A_624 : vector<16xi1>, vector<16xf32>
    %add3A_640 = arith.addf %add3A_618, %sign3A_639 : vector<16xf32>
    %scan3A_641 = arith.constant 25 : i32
    %mul3A_642 = arith.constant 16 : i32
    %mul3A_643 = arith.muli %scan3A_641, %mul3A_642 : i32
    %get3A_644 = arith.index_cast %mul3A_643 : i32 to index
    %get3A_645 = tpu.vector_load %arg4[%get3A_644] {strides = array<i32>} : memref<512xf32, #tpu.memory_space<vmem>>, vector<16xf32>,
    %get3A_646 = vector.shape_cast %get3A_645 : vector<16xf32> to vector<16xf32>
    %abs3A_647 = math.absf %get3A_646 : vector<16xf32>
    %max3A_648 = arith.maximumf %max3A_626, %abs3A_647 : vector<16xf32>
    %sign3A_649 = tpu.bitcast %get3A_646 : vector<16xf32> -> vector<16xi32>
    %sign3A_650 = arith.constant -2147483648 : i32
    %sign3A_651 = vector.broadcast %sign3A_650 : i32 to vector<16xi32>
    %sign3A_652 = arith.andi %sign3A_649, %sign3A_651 : vector<16xi32>
    %sign3A_653 = arith.constant 1065353216 : i32
    %sign3A_654 = vector.broadcast %sign3A_653 : i32 to vector<16xi32>
    %sign3A_655 = arith.ori %sign3A_654, %sign3A_652 : vector<16xi32>
    %sign3A_656 = tpu.bitcast %sign3A_655 : vector<16xi32> -> vector<16xf32>
    %sign3A_657 = math.absf %get3A_646 : vector<16xf32>
    %sign3A_658 = arith.constant 0.000000e+00 : f32
    %sign3A_659 = vector.broadcast %sign3A_658 : f32 to vector<16xf32>
    %sign3A_660 = arith.cmpf ogt, %sign3A_657, %sign3A_659 : vector<16xf32>
    %sign3A_661 = arith.select %sign3A_660, %sign3A_656, %get3A_646 : vector<16xi1>, vector<16xf32>
    %add3A_662 = arith.addf %add3A_640, %sign3A_661 : vector<16xf32>
    %scan3A_663 = arith.constant 26 : i32
    %mul3A_664 = arith.constant 16 : i32
    %mul3A_665 = arith.muli %scan3A_663, %mul3A_664 : i32
    %get3A_666 = arith.index_cast %mul3A_665 : i32 to index
    %get3A_667 = tpu.vector_load %arg4[%get3A_666] {strides = array<i32>} : memref<512xf32, #tpu.memory_space<vmem>>, vector<16xf32>,
    %get3A_668 = vector.shape_cast %get3A_667 : vector<16xf32> to vector<16xf32>
    %abs3A_669 = math.absf %get3A_668 : vector<16xf32>
    %max3A_670 = arith.maximumf %max3A_648, %abs3A_669 : vector<16xf32>
    %sign3A_671 = tpu.bitcast %get3A_668 : vector<16xf32> -> vector<16xi32>
    %sign3A_672 = arith.constant -2147483648 : i32
    %sign3A_673 = vector.broadcast %sign3A_672 : i32 to vector<16xi32>
    %sign3A_674 = arith.andi %sign3A_671, %sign3A_673 : vector<16xi32>
    %sign3A_675 = arith.constant 1065353216 : i32
    %sign3A_676 = vector.broadcast %sign3A_675 : i32 to vector<16xi32>
    %sign3A_677 = arith.ori %sign3A_676, %sign3A_674 : vector<16xi32>
    %sign3A_678 = tpu.bitcast %sign3A_677 : vector<16xi32> -> vector<16xf32>
    %sign3A_679 = math.absf %get3A_668 : vector<16xf32>
    %sign3A_680 = arith.constant 0.000000e+00 : f32
    %sign3A_681 = vector.broadcast %sign3A_680 : f32 to vector<16xf32>
    %sign3A_682 = arith.cmpf ogt, %sign3A_679, %sign3A_681 : vector<16xf32>
    %sign3A_683 = arith.select %sign3A_682, %sign3A_678, %get3A_668 : vector<16xi1>, vector<16xf32>
    %add3A_684 = arith.addf %add3A_662, %sign3A_683 : vector<16xf32>
    %scan3A_685 = arith.constant 27 : i32
    %mul3A_686 = arith.constant 16 : i32
    %mul3A_687 = arith.muli %scan3A_685, %mul3A_686 : i32
    %get3A_688 = arith.index_cast %mul3A_687 : i32 to index
    %get3A_689 = tpu.vector_load %arg4[%get3A_688] {strides = array<i32>} : memref<512xf32, #tpu.memory_space<vmem>>, vector<16xf32>,
    %get3A_690 = vector.shape_cast %get3A_689 : vector<16xf32> to vector<16xf32>
    %abs3A_691 = math.absf %get3A_690 : vector<16xf32>
    %max3A_692 = arith.maximumf %max3A_670, %abs3A_691 : vector<16xf32>
    %sign3A_693 = tpu.bitcast %get3A_690 : vector<16xf32> -> vector<16xi32>
    %sign3A_694 = arith.constant -2147483648 : i32
    %sign3A_695 = vector.broadcast %sign3A_694 : i32 to vector<16xi32>
    %sign3A_696 = arith.andi %sign3A_693, %sign3A_695 : vector<16xi32>
    %sign3A_697 = arith.constant 1065353216 : i32
    %sign3A_698 = vector.broadcast %sign3A_697 : i32 to vector<16xi32>
    %sign3A_699 = arith.ori %sign3A_698, %sign3A_696 : vector<16xi32>
    %sign3A_700 = tpu.bitcast %sign3A_699 : vector<16xi32> -> vector<16xf32>
    %sign3A_701 = math.absf %get3A_690 : vector<16xf32>
    %sign3A_702 = arith.constant 0.000000e+00 : f32
    %sign3A_703 = vector.broadcast %sign3A_702 : f32 to vector<16xf32>
    %sign3A_704 = arith.cmpf ogt, %sign3A_701, %sign3A_703 : vector<16xf32>
    %sign3A_705 = arith.select %sign3A_704, %sign3A_700, %get3A_690 : vector<16xi1>, vector<16xf32>
    %add3A_706 = arith.addf %add3A_684, %sign3A_705 : vector<16xf32>
    %scan3A_707 = arith.constant 28 : i32
    %mul3A_708 = arith.constant 16 : i32
    %mul3A_709 = arith.muli %scan3A_707, %mul3A_708 : i32
    %get3A_710 = arith.index_cast %mul3A_709 : i32 to index
    %get3A_711 = tpu.vector_load %arg4[%get3A_710] {strides = array<i32>} : memref<512xf32, #tpu.memory_space<vmem>>, vector<16xf32>,
    %get3A_712 = vector.shape_cast %get3A_711 : vector<16xf32> to vector<16xf32>
    %abs3A_713 = math.absf %get3A_712 : vector<16xf32>
    %max3A_714 = arith.maximumf %max3A_692, %abs3A_713 : vector<16xf32>
    %sign3A_715 = tpu.bitcast %get3A_712 : vector<16xf32> -> vector<16xi32>
    %sign3A_716 = arith.constant -2147483648 : i32
    %sign3A_717 = vector.broadcast %sign3A_716 : i32 to vector<16xi32>
    %sign3A_718 = arith.andi %sign3A_715, %sign3A_717 : vector<16xi32>
    %sign3A_719 = arith.constant 1065353216 : i32
    %sign3A_720 = vector.broadcast %sign3A_719 : i32 to vector<16xi32>
    %sign3A_721 = arith.ori %sign3A_720, %sign3A_718 : vector<16xi32>
    %sign3A_722 = tpu.bitcast %sign3A_721 : vector<16xi32> -> vector<16xf32>
    %sign3A_723 = math.absf %get3A_712 : vector<16xf32>
    %sign3A_724 = arith.constant 0.000000e+00 : f32
    %sign3A_725 = vector.broadcast %sign3A_724 : f32 to vector<16xf32>
    %sign3A_726 = arith.cmpf ogt, %sign3A_723, %sign3A_725 : vector<16xf32>
    %sign3A_727 = arith.select %sign3A_726, %sign3A_722, %get3A_712 : vector<16xi1>, vector<16xf32>
    %add3A_728 = arith.addf %add3A_706, %sign3A_727 : vector<16xf32>
    %scan3A_729 = arith.constant 29 : i32
    %mul3A_730 = arith.constant 16 : i32
    %mul3A_731 = arith.muli %scan3A_729, %mul3A_730 : i32
    %get3A_732 = arith.index_cast %mul3A_731 : i32 to index
    %get3A_733 = tpu.vector_load %arg4[%get3A_732] {strides = array<i32>} : memref<512xf32, #tpu.memory_space<vmem>>, vector<16xf32>,
    %get3A_734 = vector.shape_cast %get3A_733 : vector<16xf32> to vector<16xf32>
    %abs3A_735 = math.absf %get3A_734 : vector<16xf32>
    %max3A_736 = arith.maximumf %max3A_714, %abs3A_735 : vector<16xf32>
    %sign3A_737 = tpu.bitcast %get3A_734 : vector<16xf32> -> vector<16xi32>
    %sign3A_738 = arith.constant -2147483648 : i32
    %sign3A_739 = vector.broadcast %sign3A_738 : i32 to vector<16xi32>
    %sign3A_740 = arith.andi %sign3A_737, %sign3A_739 : vector<16xi32>
    %sign3A_741 = arith.constant 1065353216 : i32
    %sign3A_742 = vector.broadcast %sign3A_741 : i32 to vector<16xi32>
    %sign3A_743 = arith.ori %sign3A_742, %sign3A_740 : vector<16xi32>
    %sign3A_744 = tpu.bitcast %sign3A_743 : vector<16xi32> -> vector<16xf32>
    %sign3A_745 = math.absf %get3A_734 : vector<16xf32>
    %sign3A_746 = arith.constant 0.000000e+00 : f32
    %sign3A_747 = vector.broadcast %sign3A_746 : f32 to vector<16xf32>
    %sign3A_748 = arith.cmpf ogt, %sign3A_745, %sign3A_747 : vector<16xf32>
    %sign3A_749 = arith.select %sign3A_748, %sign3A_744, %get3A_734 : vector<16xi1>, vector<16xf32>
    %add3A_750 = arith.addf %add3A_728, %sign3A_749 : vector<16xf32>
    %scan3A_751 = arith.constant 30 : i32
    %mul3A_752 = arith.constant 16 : i32
    %mul3A_753 = arith.muli %scan3A_751, %mul3A_752 : i32
    %get3A_754 = arith.index_cast %mul3A_753 : i32 to index
    %get3A_755 = tpu.vector_load %arg4[%get3A_754] {strides = array<i32>} : memref<512xf32, #tpu.memory_space<vmem>>, vector<16xf32>,
    %get3A_756 = vector.shape_cast %get3A_755 : vector<16xf32> to vector<16xf32>
    %abs3A_757 = math.absf %get3A_756 : vector<16xf32>
    %max3A_758 = arith.maximumf %max3A_736, %abs3A_757 : vector<16xf32>
    %sign3A_759 = tpu.bitcast %get3A_756 : vector<16xf32> -> vector<16xi32>
    %sign3A_760 = arith.constant -2147483648 : i32
    %sign3A_761 = vector.broadcast %sign3A_760 : i32 to vector<16xi32>
    %sign3A_762 = arith.andi %sign3A_759, %sign3A_761 : vector<16xi32>
    %sign3A_763 = arith.constant 1065353216 : i32
    %sign3A_764 = vector.broadcast %sign3A_763 : i32 to vector<16xi32>
    %sign3A_765 = arith.ori %sign3A_764, %sign3A_762 : vector<16xi32>
    %sign3A_766 = tpu.bitcast %sign3A_765 : vector<16xi32> -> vector<16xf32>
    %sign3A_767 = math.absf %get3A_756 : vector<16xf32>
    %sign3A_768 = arith.constant 0.000000e+00 : f32
    %sign3A_769 = vector.broadcast %sign3A_768 : f32 to vector<16xf32>
    %sign3A_770 = arith.cmpf ogt, %sign3A_767, %sign3A_769 : vector<16xf32>
    %sign3A_771 = arith.select %sign3A_770, %sign3A_766, %get3A_756 : vector<16xi1>, vector<16xf32>
    %add3A_772 = arith.addf %add3A_750, %sign3A_771 : vector<16xf32>
    %scan3A_773 = arith.constant 31 : i32
    %mul3A_774 = arith.constant 16 : i32
    %mul3A_775 = arith.muli %scan3A_773, %mul3A_774 : i32
    %get3A_776 = arith.index_cast %mul3A_775 : i32 to index
    %get3A_777 = tpu.vector_load %arg4[%get3A_776] {strides = array<i32>} : memref<512xf32, #tpu.memory_space<vmem>>, vector<16xf32>,
    %get3A_778 = vector.shape_cast %get3A_777 : vector<16xf32> to vector<16xf32>
    %abs3A_779 = math.absf %get3A_778 : vector<16xf32>
    %max3A_780 = arith.maximumf %max3A_758, %abs3A_779 : vector<16xf32>
    %sign3A_781 = tpu.bitcast %get3A_778 : vector<16xf32> -> vector<16xi32>
    %sign3A_782 = arith.constant -2147483648 : i32
    %sign3A_783 = vector.broadcast %sign3A_782 : i32 to vector<16xi32>
    %sign3A_784 = arith.andi %sign3A_781, %sign3A_783 : vector<16xi32>
    %sign3A_785 = arith.constant 1065353216 : i32
    %sign3A_786 = vector.broadcast %sign3A_785 : i32 to vector<16xi32>
    %sign3A_787 = arith.ori %sign3A_786, %sign3A_784 : vector<16xi32>
    %sign3A_788 = tpu.bitcast %sign3A_787 : vector<16xi32> -> vector<16xf32>
    %sign3A_789 = math.absf %get3A_778 : vector<16xf32>
    %sign3A_790 = arith.constant 0.000000e+00 : f32
    %sign3A_791 = vector.broadcast %sign3A_790 : f32 to vector<16xf32>
    %sign3A_792 = arith.cmpf ogt, %sign3A_789, %sign3A_791 : vector<16xf32>
    %sign3A_793 = arith.select %sign3A_792, %sign3A_788, %get3A_778 : vector<16xi1>, vector<16xf32>
    %add3A_794 = arith.addf %add3A_772, %sign3A_793 : vector<16xf32>
    %scan3A_795 = arith.constant 16 : i32
    %swap3A = arith.constant 0 : i32
    %swap3A_796 = arith.index_cast %swap3A : i32 to index
    %swap3A_797 = arith.constant 0 : index
    %swap3A_798 = tpu.vector_load %arg6[%swap3A_796, %swap3A_797] {strides = array<i32>} : memref<2x16xf32, #tpu.memory_space<vmem>>, vector<1x16xf32>,
    %swap3A_799 = vector.shape_cast %swap3A_798 : vector<1x16xf32> to vector<16xf32>
    %swap3A_800 = vector.shape_cast %max3A_780 : vector<16xf32> to vector<1x16xf32>
    tpu.vector_store %arg6[%swap3A_796, %swap3A_797], %swap3A_800 {strides = array<i32>} : memref<2x16xf32, #tpu.memory_space<vmem>>, vector<1x16xf32>,
    %swap3A_801 = arith.constant 1 : i32
    %swap3A_802 = arith.index_cast %swap3A_801 : i32 to index
    %swap3A_803 = arith.constant 0 : index
    %swap3A_804 = tpu.vector_load %arg6[%swap3A_802, %swap3A_803] {strides = array<i32>} : memref<2x16xf32, #tpu.memory_space<vmem>>, vector<1x16xf32>,
    %swap3A_805 = vector.shape_cast %swap3A_804 : vector<1x16xf32> to vector<16xf32>
    %swap3A_806 = vector.shape_cast %add3A_794 : vector<16xf32> to vector<1x16xf32>
    tpu.vector_store %arg6[%swap3A_802, %swap3A_803], %swap3A_806 {strides = array<i32>} : memref<2x16xf32, #tpu.memory_space<vmem>>, vector<1x16xf32>,
    "tpu.region"() ({
      %run_scoped3A = tpu.sem_alloc : memref<!tpu.dma_semaphore, #tpu.memory_space<semaphore_mem>>
      %dma_start3A_1996 = arith.constant 0 : i32
      %dma_start3A_1997 = arith.constant 0 : i32
      %dma_start3A_1998 = tpu.memref_slice %arg8[%arg1, %dma_start3A_1996, %dma_start3A_1997] : memref<16x2x16xf32, #tpu.memory_space<vmem_shared>> -> memref<1x2x16xf32, #tpu.memory_space<vmem_shared>>
      %dma_start3A_1999 = tpu.memref_squeeze %dma_start3A_1998 : memref<1x2x16xf32, #tpu.memory_space<vmem_shared>> -> memref<2x16xf32, #tpu.memory_space<vmem_shared>>
      %dma_start3A_2000 = arith.constant 0 : i32
      %dma_start3A_2001 = arith.constant 0 : i32
      %dma_start3A_2002 = tpu.memref_slice %arg8[%arg1, %dma_start3A_2000, %dma_start3A_2001] : memref<16x2x16xf32, #tpu.memory_space<vmem_shared>> -> memref<1x2x16xf32, #tpu.memory_space<vmem_shared>>
      %dma_start3A_2003 = tpu.memref_squeeze %dma_start3A_2002 : memref<1x2x16xf32, #tpu.memory_space<vmem_shared>> -> memref<2x16xf32, #tpu.memory_space<vmem_shared>>
      tpu.enqueue_dma source(%arg6 : memref<2x16xf32, #tpu.memory_space<vmem>>) target(%dma_start3A_2003 : memref<2x16xf32, #tpu.memory_space<vmem_shared>>) target_semaphore(%run_scoped3A : memref<!tpu.dma_semaphore, #tpu.memory_space<semaphore_mem>>)
      %dma_wait3A_2004 = arith.constant 0 : i32
      %dma_wait3A_2005 = arith.constant 0 : i32
      %dma_wait3A_2006 = tpu.memref_slice %arg8[%arg1, %dma_wait3A_2004, %dma_wait3A_2005] : memref<16x2x16xf32, #tpu.memory_space<vmem_shared>> -> memref<1x2x16xf32, #tpu.memory_space<vmem_shared>>
      %dma_wait3A_2007 = tpu.memref_squeeze %dma_wait3A_2006 : memref<1x2x16xf32, #tpu.memory_space<vmem_shared>> -> memref<2x16xf32, #tpu.memory_space<vmem_shared>>
      %dma_wait3A_2008 = arith.constant 0 : i32
      %dma_wait3A_2009 = arith.constant 0 : i32
      %dma_wait3A_2010 = tpu.memref_slice %arg8[%arg1, %dma_wait3A_2008, %dma_wait3A_2009] : memref<16x2x16xf32, #tpu.memory_space<vmem_shared>> -> memref<1x2x16xf32, #tpu.memory_space<vmem_shared>>
      %dma_wait3A_2011 = tpu.memref_squeeze %dma_wait3A_2010 : memref<1x2x16xf32, #tpu.memory_space<vmem_shared>> -> memref<2x16xf32, #tpu.memory_space<vmem_shared>>
      tpu.wait_dma2 semaphore(%run_scoped3A : memref<!tpu.dma_semaphore, #tpu.memory_space<semaphore_mem>>) src(%arg6 : memref<2x16xf32, #tpu.memory_space<vmem>>) dst(%dma_wait3A_2011 : memref<2x16xf32, #tpu.memory_space<vmem_shared>>)
      tpu.yield
    }) : () -> ()
    %barrier3A = arith.constant 0 : index
    tpu.barrier barrier_id(%barrier3A)
    "tpu.region"() ({
      %run_scoped3A = tpu.sem_alloc : memref<!tpu.dma_semaphore, #tpu.memory_space<semaphore_mem>>
      %dma_start3A_1996 = arith.constant 0 : i32
      %dma_start3A_1997 = arith.constant 0 : i32
      %dma_start3A_1998 = tpu.memref_slice %arg8[%mul3A_56, %dma_start3A_1996, %dma_start3A_1997] : memref<16x2x16xf32, #tpu.memory_space<vmem_shared>> -> memref<4x2x16xf32, #tpu.memory_space<vmem_shared>>
      %dma_start3A_1999 = arith.constant 0 : i32
      %dma_start3A_2000 = arith.constant 0 : i32
      %dma_start3A_2001 = tpu.memref_slice %arg8[%mul3A_56, %dma_start3A_1999, %dma_start3A_2000] : memref<16x2x16xf32, #tpu.memory_space<vmem_shared>> -> memref<4x2x16xf32, #tpu.memory_space<vmem_shared>>
      tpu.enqueue_dma source(%dma_start3A_2001 : memref<4x2x16xf32, #tpu.memory_space<vmem_shared>>) target(%arg7 : memref<4x2x16xf32, #tpu.memory_space<vmem>>) target_semaphore(%run_scoped3A : memref<!tpu.dma_semaphore, #tpu.memory_space<semaphore_mem>>)
      %dma_wait3A_2002 = arith.constant 0 : i32
      %dma_wait3A_2003 = arith.constant 0 : i32
      %dma_wait3A_2004 = tpu.memref_slice %arg8[%mul3A_56, %dma_wait3A_2002, %dma_wait3A_2003] : memref<16x2x16xf32, #tpu.memory_space<vmem_shared>> -> memref<4x2x16xf32, #tpu.memory_space<vmem_shared>>
      %dma_wait3A_2005 = arith.constant 0 : i32
      %dma_wait3A_2006 = arith.constant 0 : i32
      %dma_wait3A_2007 = tpu.memref_slice %arg8[%mul3A_56, %dma_wait3A_2005, %dma_wait3A_2006] : memref<16x2x16xf32, #tpu.memory_space<vmem_shared>> -> memref<4x2x16xf32, #tpu.memory_space<vmem_shared>>
      tpu.wait_dma2 semaphore(%run_scoped3A : memref<!tpu.dma_semaphore, #tpu.memory_space<semaphore_mem>>) src(%dma_wait3A_2007 : memref<4x2x16xf32, #tpu.memory_space<vmem_shared>>) dst(%arg7 : memref<4x2x16xf32, #tpu.memory_space<vmem>>)
      tpu.yield
    }) : () -> ()
    %get3A_807 = arith.constant 0 : i32
    %get3A_808 = arith.constant 0 : i32
    %get3A_809 = arith.index_cast %get3A_807 : i32 to index
    %get3A_810 = arith.index_cast %get3A_808 : i32 to index
    %get3A_811 = arith.constant 0 : index
    %get3A_812 = tpu.vector_load %arg7[%get3A_809, %get3A_810, %get3A_811] {strides = array<i32>} : memref<4x2x16xf32, #tpu.memory_space<vmem>>, vector<1x1x16xf32>,
    %get3A_813 = vector.shape_cast %get3A_812 : vector<1x1x16xf32> to vector<16xf32>
    %get3A_814 = arith.constant 0 : i32
    %get3A_815 = arith.constant 1 : i32
    %get3A_816 = arith.index_cast %get3A_814 : i32 to index
    %get3A_817 = arith.index_cast %get3A_815 : i32 to index
    %get3A_818 = arith.constant 0 : index
    %get3A_819 = tpu.vector_load %arg7[%get3A_816, %get3A_817, %get3A_818] {strides = array<i32>} : memref<4x2x16xf32, #tpu.memory_space<vmem>>, vector<1x1x16xf32>,
    %get3A_820 = vector.shape_cast %get3A_819 : vector<1x1x16xf32> to vector<16xf32>
    %get3A_821 = arith.constant 1 : i32
    %get3A_822 = arith.constant 0 : i32
    %get3A_823 = arith.index_cast %get3A_821 : i32 to index
    %get3A_824 = arith.index_cast %get3A_822 : i32 to index
    %get3A_825 = arith.constant 0 : index
    %get3A_826 = tpu.vector_load %arg7[%get3A_823, %get3A_824, %get3A_825] {strides = array<i32>} : memref<4x2x16xf32, #tpu.memory_space<vmem>>, vector<1x1x16xf32>,
    %get3A_827 = vector.shape_cast %get3A_826 : vector<1x1x16xf32> to vector<16xf32>
    %max3A_828 = arith.maximumf %get3A_813, %get3A_827 : vector<16xf32>
    %get3A_829 = arith.constant 1 : i32
    %get3A_830 = arith.constant 1 : i32
    %get3A_831 = arith.index_cast %get3A_829 : i32 to index
    %get3A_832 = arith.index_cast %get3A_830 : i32 to index
    %get3A_833 = arith.constant 0 : index
    %get3A_834 = tpu.vector_load %arg7[%get3A_831, %get3A_832, %get3A_833] {strides = array<i32>} : memref<4x2x16xf32, #tpu.memory_space<vmem>>, vector<1x1x16xf32>,
    %get3A_835 = vector.shape_cast %get3A_834 : vector<1x1x16xf32> to vector<16xf32>
    %add3A_836 = arith.addf %get3A_820, %get3A_835 : vector<16xf32>
    %get3A_837 = arith.constant 2 : i32
    %get3A_838 = arith.constant 0 : i32
    %get3A_839 = arith.index_cast %get3A_837 : i32 to index
    %get3A_840 = arith.index_cast %get3A_838 : i32 to index
    %get3A_841 = arith.constant 0 : index
    %get3A_842 = tpu.vector_load %arg7[%get3A_839, %get3A_840, %get3A_841] {strides = array<i32>} : memref<4x2x16xf32, #tpu.memory_space<vmem>>, vector<1x1x16xf32>,
    %get3A_843 = vector.shape_cast %get3A_842 : vector<1x1x16xf32> to vector<16xf32>
    %max3A_844 = arith.maximumf %max3A_828, %get3A_843 : vector<16xf32>
    %get3A_845 = arith.constant 2 : i32
    %get3A_846 = arith.constant 1 : i32
    %get3A_847 = arith.index_cast %get3A_845 : i32 to index
    %get3A_848 = arith.index_cast %get3A_846 : i32 to index
    %get3A_849 = arith.constant 0 : index
    %get3A_850 = tpu.vector_load %arg7[%get3A_847, %get3A_848, %get3A_849] {strides = array<i32>} : memref<4x2x16xf32, #tpu.memory_space<vmem>>, vector<1x1x16xf32>,
    %get3A_851 = vector.shape_cast %get3A_850 : vector<1x1x16xf32> to vector<16xf32>
    %add3A_852 = arith.addf %add3A_836, %get3A_851 : vector<16xf32>
    %get3A_853 = arith.constant 3 : i32
    %get3A_854 = arith.constant 0 : i32
    %get3A_855 = arith.index_cast %get3A_853 : i32 to index
    %get3A_856 = arith.index_cast %get3A_854 : i32 to index
    %get3A_857 = arith.constant 0 : index
    %get3A_858 = tpu.vector_load %arg7[%get3A_855, %get3A_856, %get3A_857] {strides = array<i32>} : memref<4x2x16xf32, #tpu.memory_space<vmem>>, vector<1x1x16xf32>,
    %get3A_859 = vector.shape_cast %get3A_858 : vector<1x1x16xf32> to vector<16xf32>
    %max3A_860 = arith.maximumf %max3A_844, %get3A_859 : vector<16xf32>
    %get3A_861 = arith.constant 3 : i32
    %get3A_862 = arith.constant 1 : i32
    %get3A_863 = arith.index_cast %get3A_861 : i32 to index
    %get3A_864 = arith.index_cast %get3A_862 : i32 to index
    %get3A_865 = arith.constant 0 : index
    %get3A_866 = tpu.vector_load %arg7[%get3A_863, %get3A_864, %get3A_865] {strides = array<i32>} : memref<4x2x16xf32, #tpu.memory_space<vmem>>, vector<1x1x16xf32>,
    %get3A_867 = vector.shape_cast %get3A_866 : vector<1x1x16xf32> to vector<16xf32>
    %add3A_868 = arith.addf %add3A_852, %get3A_867 : vector<16xf32>
    %xor3A = arith.constant 8 : i32
    %xor3A_869 = vector.broadcast %xor3A : i32 to vector<16xi32>
    %xor3A_870 = arith.xori %iota3A, %xor3A_869 : vector<16xi32>
    %lt3A_871 = arith.constant 0 : i32
    %lt3A_872 = vector.broadcast %lt3A_871 : i32 to vector<16xi32>
    %lt3A_873 = arith.cmpi slt, %xor3A_870, %lt3A_872 : vector<16xi32>
    %add3A_874 = arith.constant 16 : i32
    %add3A_875 = vector.broadcast %add3A_874 : i32 to vector<16xi32>
    %add3A_876 = arith.addi %xor3A_870, %add3A_875 : vector<16xi32>
    %select_n3A_877 = arith.select %lt3A_873, %add3A_876, %xor3A_870 : vector<16xi1>, vector<16xi32>
    %broadcast_in_dim3A_878 = vector.shape_cast %select_n3A_877 : vector<16xi32> to vector<16x1xi32>
    %gather3A = vector.shape_cast %broadcast_in_dim3A_878 : vector<16x1xi32> to vector<16xi32>
    %gather3A_879 = tpu.dynamic_gather %max3A_860[%gather3A] in [0] : vector<16xf32>, vector<16xi32> -> vector<16xf32>
    %max3A_880 = arith.maximumf %max3A_860, %gather3A_879 : vector<16xf32>
    %xor3A_881 = arith.constant 4 : i32
    %xor3A_882 = vector.broadcast %xor3A_881 : i32 to vector<16xi32>
    %xor3A_883 = arith.xori %iota3A, %xor3A_882 : vector<16xi32>
    %lt3A_884 = arith.constant 0 : i32
    %lt3A_885 = vector.broadcast %lt3A_884 : i32 to vector<16xi32>
    %lt3A_886 = arith.cmpi slt, %xor3A_883, %lt3A_885 : vector<16xi32>
    %add3A_887 = arith.constant 16 : i32
    %add3A_888 = vector.broadcast %add3A_887 : i32 to vector<16xi32>
    %add3A_889 = arith.addi %xor3A_883, %add3A_888 : vector<16xi32>
    %select_n3A_890 = arith.select %lt3A_886, %add3A_889, %xor3A_883 : vector<16xi1>, vector<16xi32>
    %broadcast_in_dim3A_891 = vector.shape_cast %select_n3A_890 : vector<16xi32> to vector<16x1xi32>
    %gather3A_892 = vector.shape_cast %broadcast_in_dim3A_891 : vector<16x1xi32> to vector<16xi32>
    %gather3A_893 = tpu.dynamic_gather %max3A_880[%gather3A_892] in [0] : vector<16xf32>, vector<16xi32> -> vector<16xf32>
    %max3A_894 = arith.maximumf %max3A_880, %gather3A_893 : vector<16xf32>
    %xor3A_895 = arith.constant 2 : i32
    %xor3A_896 = vector.broadcast %xor3A_895 : i32 to vector<16xi32>
    %xor3A_897 = arith.xori %iota3A, %xor3A_896 : vector<16xi32>
    %lt3A_898 = arith.constant 0 : i32
    %lt3A_899 = vector.broadcast %lt3A_898 : i32 to vector<16xi32>
    %lt3A_900 = arith.cmpi slt, %xor3A_897, %lt3A_899 : vector<16xi32>
    %add3A_901 = arith.constant 16 : i32
    %add3A_902 = vector.broadcast %add3A_901 : i32 to vector<16xi32>
    %add3A_903 = arith.addi %xor3A_897, %add3A_902 : vector<16xi32>
    %select_n3A_904 = arith.select %lt3A_900, %add3A_903, %xor3A_897 : vector<16xi1>, vector<16xi32>
    %broadcast_in_dim3A_905 = vector.shape_cast %select_n3A_904 : vector<16xi32> to vector<16x1xi32>
    %gather3A_906 = vector.shape_cast %broadcast_in_dim3A_905 : vector<16x1xi32> to vector<16xi32>
    %gather3A_907 = tpu.dynamic_gather %max3A_894[%gather3A_906] in [0] : vector<16xf32>, vector<16xi32> -> vector<16xf32>
    %max3A_908 = arith.maximumf %max3A_894, %gather3A_907 : vector<16xf32>
    %xor3A_909 = arith.constant 1 : i32
    %xor3A_910 = vector.broadcast %xor3A_909 : i32 to vector<16xi32>
    %xor3A_911 = arith.xori %iota3A, %xor3A_910 : vector<16xi32>
    %lt3A_912 = arith.constant 0 : i32
    %lt3A_913 = vector.broadcast %lt3A_912 : i32 to vector<16xi32>
    %lt3A_914 = arith.cmpi slt, %xor3A_911, %lt3A_913 : vector<16xi32>
    %add3A_915 = arith.constant 16 : i32
    %add3A_916 = vector.broadcast %add3A_915 : i32 to vector<16xi32>
    %add3A_917 = arith.addi %xor3A_911, %add3A_916 : vector<16xi32>
    %select_n3A_918 = arith.select %lt3A_914, %add3A_917, %xor3A_911 : vector<16xi1>, vector<16xi32>
    %broadcast_in_dim3A_919 = vector.shape_cast %select_n3A_918 : vector<16xi32> to vector<16x1xi32>
    %gather3A_920 = vector.shape_cast %broadcast_in_dim3A_919 : vector<16x1xi32> to vector<16xi32>
    %gather3A_921 = tpu.dynamic_gather %max3A_908[%gather3A_920] in [0] : vector<16xf32>, vector<16xi32> -> vector<16xf32>
    %max3A_922 = arith.maximumf %max3A_908, %gather3A_921 : vector<16xf32>
    %xor3A_923 = arith.constant 8 : i32
    %xor3A_924 = vector.broadcast %xor3A_923 : i32 to vector<16xi32>
    %xor3A_925 = arith.xori %iota3A, %xor3A_924 : vector<16xi32>
    %lt3A_926 = arith.constant 0 : i32
    %lt3A_927 = vector.broadcast %lt3A_926 : i32 to vector<16xi32>
    %lt3A_928 = arith.cmpi slt, %xor3A_925, %lt3A_927 : vector<16xi32>
    %add3A_929 = arith.constant 16 : i32
    %add3A_930 = vector.broadcast %add3A_929 : i32 to vector<16xi32>
    %add3A_931 = arith.addi %xor3A_925, %add3A_930 : vector<16xi32>
    %select_n3A_932 = arith.select %lt3A_928, %add3A_931, %xor3A_925 : vector<16xi1>, vector<16xi32>
    %broadcast_in_dim3A_933 = vector.shape_cast %select_n3A_932 : vector<16xi32> to vector<16x1xi32>
    %gather3A_934 = vector.shape_cast %broadcast_in_dim3A_933 : vector<16x1xi32> to vector<16xi32>
    %gather3A_935 = tpu.dynamic_gather %add3A_868[%gather3A_934] in [0] : vector<16xf32>, vector<16xi32> -> vector<16xf32>
    %add3A_936 = arith.addf %add3A_868, %gather3A_935 : vector<16xf32>
    %xor3A_937 = arith.constant 4 : i32
    %xor3A_938 = vector.broadcast %xor3A_937 : i32 to vector<16xi32>
    %xor3A_939 = arith.xori %iota3A, %xor3A_938 : vector<16xi32>
    %lt3A_940 = arith.constant 0 : i32
    %lt3A_941 = vector.broadcast %lt3A_940 : i32 to vector<16xi32>
    %lt3A_942 = arith.cmpi slt, %xor3A_939, %lt3A_941 : vector<16xi32>
    %add3A_943 = arith.constant 16 : i32
    %add3A_944 = vector.broadcast %add3A_943 : i32 to vector<16xi32>
    %add3A_945 = arith.addi %xor3A_939, %add3A_944 : vector<16xi32>
    %select_n3A_946 = arith.select %lt3A_942, %add3A_945, %xor3A_939 : vector<16xi1>, vector<16xi32>
    %broadcast_in_dim3A_947 = vector.shape_cast %select_n3A_946 : vector<16xi32> to vector<16x1xi32>
    %gather3A_948 = vector.shape_cast %broadcast_in_dim3A_947 : vector<16x1xi32> to vector<16xi32>
    %gather3A_949 = tpu.dynamic_gather %add3A_936[%gather3A_948] in [0] : vector<16xf32>, vector<16xi32> -> vector<16xf32>
    %add3A_950 = arith.addf %add3A_936, %gather3A_949 : vector<16xf32>
    %xor3A_951 = arith.constant 2 : i32
    %xor3A_952 = vector.broadcast %xor3A_951 : i32 to vector<16xi32>
    %xor3A_953 = arith.xori %iota3A, %xor3A_952 : vector<16xi32>
    %lt3A_954 = arith.constant 0 : i32
    %lt3A_955 = vector.broadcast %lt3A_954 : i32 to vector<16xi32>
    %lt3A_956 = arith.cmpi slt, %xor3A_953, %lt3A_955 : vector<16xi32>
    %add3A_957 = arith.constant 16 : i32
    %add3A_958 = vector.broadcast %add3A_957 : i32 to vector<16xi32>
    %add3A_959 = arith.addi %xor3A_953, %add3A_958 : vector<16xi32>
    %select_n3A_960 = arith.select %lt3A_956, %add3A_959, %xor3A_953 : vector<16xi1>, vector<16xi32>
    %broadcast_in_dim3A_961 = vector.shape_cast %select_n3A_960 : vector<16xi32> to vector<16x1xi32>
    %gather3A_962 = vector.shape_cast %broadcast_in_dim3A_961 : vector<16x1xi32> to vector<16xi32>
    %gather3A_963 = tpu.dynamic_gather %add3A_950[%gather3A_962] in [0] : vector<16xf32>, vector<16xi32> -> vector<16xf32>
    %add3A_964 = arith.addf %add3A_950, %gather3A_963 : vector<16xf32>
    %xor3A_965 = arith.constant 1 : i32
    %xor3A_966 = vector.broadcast %xor3A_965 : i32 to vector<16xi32>
    %xor3A_967 = arith.xori %iota3A, %xor3A_966 : vector<16xi32>
    %lt3A_968 = arith.constant 0 : i32
    %lt3A_969 = vector.broadcast %lt3A_968 : i32 to vector<16xi32>
    %lt3A_970 = arith.cmpi slt, %xor3A_967, %lt3A_969 : vector<16xi32>
    %add3A_971 = arith.constant 16 : i32
    %add3A_972 = vector.broadcast %add3A_971 : i32 to vector<16xi32>
    %add3A_973 = arith.addi %xor3A_967, %add3A_972 : vector<16xi32>
    %select_n3A_974 = arith.select %lt3A_970, %add3A_973, %xor3A_967 : vector<16xi1>, vector<16xi32>
    %broadcast_in_dim3A_975 = vector.shape_cast %select_n3A_974 : vector<16xi32> to vector<16x1xi32>
    %gather3A_976 = vector.shape_cast %broadcast_in_dim3A_975 : vector<16x1xi32> to vector<16xi32>
    %gather3A_977 = tpu.dynamic_gather %add3A_964[%gather3A_976] in [0] : vector<16xf32>, vector<16xi32> -> vector<16xf32>
    %add3A_978 = arith.addf %add3A_964, %gather3A_977 : vector<16xf32>
    %sub3A_979 = arith.constant 1.023500e+03 : f32
    %sub3A_980 = vector.broadcast %sub3A_979 : f32 to vector<16xf32>
    %sub3A_981 = arith.subf %max3A_922, %sub3A_980 : vector<16xf32>
    %min3A = arith.constant 0.000000e+00 : f32
    %min3A_982 = vector.broadcast %min3A : f32 to vector<16xf32>
    %min3A_983 = arith.minimumf %sub3A_981, %min3A_982 : vector<16xf32>
    %max3A_984 = arith.constant 0.000000e+00 : f32
    %max3A_985 = vector.broadcast %max3A_984 : f32 to vector<16xf32>
    %max3A_986 = arith.maximumf %min3A_983, %max3A_985 : vector<16xf32>
    %mul3A_987 = arith.mulf %max3A_986, %add3A_978 : vector<16xf32>
    %sub3A_988 = arith.constant 1.000000e+00 : f32
    %sub3A_989 = vector.broadcast %sub3A_988 : f32 to vector<16xf32>
    %sub3A_990 = arith.subf %mul3A_987, %sub3A_989 : vector<16xf32>
    %div3A_991 = arith.constant 2.048000e+03 : f32
    %div3A_992 = vector.broadcast %div3A_991 : f32 to vector<16xf32>
    %div3A_993 = arith.divf %sub3A_990, %div3A_992 : vector<16xf32>
    %scan3A_994 = arith.constant 0 : i32
    %scan3A_995 = arith.constant 0 : i32
    %mul3A_996 = arith.constant 16 : i32
    %mul3A_997 = arith.muli %scan3A_995, %mul3A_996 : i32
    %get3A_998 = arith.index_cast %mul3A_997 : i32 to index
    %get3A_999 = tpu.vector_load %arg4[%get3A_998] {strides = array<i32>} : memref<512xf32, #tpu.memory_space<vmem>>, vector<16xf32>,
    %get3A_1000 = vector.shape_cast %get3A_999 : vector<16xf32> to vector<16xf32>
    %sign3A_1001 = tpu.bitcast %get3A_1000 : vector<16xf32> -> vector<16xi32>
    %sign3A_1002 = arith.constant -2147483648 : i32
    %sign3A_1003 = vector.broadcast %sign3A_1002 : i32 to vector<16xi32>
    %sign3A_1004 = arith.andi %sign3A_1001, %sign3A_1003 : vector<16xi32>
    %sign3A_1005 = arith.constant 1065353216 : i32
    %sign3A_1006 = vector.broadcast %sign3A_1005 : i32 to vector<16xi32>
    %sign3A_1007 = arith.ori %sign3A_1006, %sign3A_1004 : vector<16xi32>
    %sign3A_1008 = tpu.bitcast %sign3A_1007 : vector<16xi32> -> vector<16xf32>
    %sign3A_1009 = math.absf %get3A_1000 : vector<16xf32>
    %sign3A_1010 = arith.constant 0.000000e+00 : f32
    %sign3A_1011 = vector.broadcast %sign3A_1010 : f32 to vector<16xf32>
    %sign3A_1012 = arith.cmpf ogt, %sign3A_1009, %sign3A_1011 : vector<16xf32>
    %sign3A_1013 = arith.select %sign3A_1012, %sign3A_1008, %get3A_1000 : vector<16xi1>, vector<16xf32>
    %mul3A_1014 = arith.mulf %sign3A_1013, %max3A_986 : vector<16xf32>
    %sub3A_1015 = arith.subf %mul3A_1014, %div3A_993 : vector<16xf32>
    %max3A_1016 = arith.constant 0.000000e+00 : f32
    %max3A_1017 = vector.broadcast %max3A_1016 : f32 to vector<16xf32>
    %max3A_1018 = arith.maximumf %sub3A_1015, %max3A_1017 : vector<16xf32>
    %mul3A_1019 = arith.constant 16 : i32
    %mul3A_1020 = arith.muli %scan3A_995, %mul3A_1019 : i32
    %swap3A_1021 = arith.index_cast %mul3A_1020 : i32 to index
    %swap3A_1022 = tpu.vector_load %arg5[%swap3A_1021] {strides = array<i32>} : memref<512xf32, #tpu.memory_space<vmem>>, vector<16xf32>,
    %swap3A_1023 = vector.shape_cast %swap3A_1022 : vector<16xf32> to vector<16xf32>
    %swap3A_1024 = vector.shape_cast %max3A_1018 : vector<16xf32> to vector<16xf32>
    tpu.vector_store %arg5[%swap3A_1021], %swap3A_1024 {strides = array<i32>} : memref<512xf32, #tpu.memory_space<vmem>>, vector<16xf32>,
    %scan3A_1025 = arith.constant 1 : i32
    %mul3A_1026 = arith.constant 16 : i32
    %mul3A_1027 = arith.muli %scan3A_1025, %mul3A_1026 : i32
    %get3A_1028 = arith.index_cast %mul3A_1027 : i32 to index
    %get3A_1029 = tpu.vector_load %arg4[%get3A_1028] {strides = array<i32>} : memref<512xf32, #tpu.memory_space<vmem>>, vector<16xf32>,
    %get3A_1030 = vector.shape_cast %get3A_1029 : vector<16xf32> to vector<16xf32>
    %sign3A_1031 = tpu.bitcast %get3A_1030 : vector<16xf32> -> vector<16xi32>
    %sign3A_1032 = arith.constant -2147483648 : i32
    %sign3A_1033 = vector.broadcast %sign3A_1032 : i32 to vector<16xi32>
    %sign3A_1034 = arith.andi %sign3A_1031, %sign3A_1033 : vector<16xi32>
    %sign3A_1035 = arith.constant 1065353216 : i32
    %sign3A_1036 = vector.broadcast %sign3A_1035 : i32 to vector<16xi32>
    %sign3A_1037 = arith.ori %sign3A_1036, %sign3A_1034 : vector<16xi32>
    %sign3A_1038 = tpu.bitcast %sign3A_1037 : vector<16xi32> -> vector<16xf32>
    %sign3A_1039 = math.absf %get3A_1030 : vector<16xf32>
    %sign3A_1040 = arith.constant 0.000000e+00 : f32
    %sign3A_1041 = vector.broadcast %sign3A_1040 : f32 to vector<16xf32>
    %sign3A_1042 = arith.cmpf ogt, %sign3A_1039, %sign3A_1041 : vector<16xf32>
    %sign3A_1043 = arith.select %sign3A_1042, %sign3A_1038, %get3A_1030 : vector<16xi1>, vector<16xf32>
    %mul3A_1044 = arith.mulf %sign3A_1043, %max3A_986 : vector<16xf32>
    %sub3A_1045 = arith.subf %mul3A_1044, %div3A_993 : vector<16xf32>
    %max3A_1046 = arith.constant 0.000000e+00 : f32
    %max3A_1047 = vector.broadcast %max3A_1046 : f32 to vector<16xf32>
    %max3A_1048 = arith.maximumf %sub3A_1045, %max3A_1047 : vector<16xf32>
    %mul3A_1049 = arith.constant 16 : i32
    %mul3A_1050 = arith.muli %scan3A_1025, %mul3A_1049 : i32
    %swap3A_1051 = arith.index_cast %mul3A_1050 : i32 to index
    %swap3A_1052 = tpu.vector_load %arg5[%swap3A_1051] {strides = array<i32>} : memref<512xf32, #tpu.memory_space<vmem>>, vector<16xf32>,
    %swap3A_1053 = vector.shape_cast %swap3A_1052 : vector<16xf32> to vector<16xf32>
    %swap3A_1054 = vector.shape_cast %max3A_1048 : vector<16xf32> to vector<16xf32>
    tpu.vector_store %arg5[%swap3A_1051], %swap3A_1054 {strides = array<i32>} : memref<512xf32, #tpu.memory_space<vmem>>, vector<16xf32>,
    %scan3A_1055 = arith.constant 2 : i32
    %mul3A_1056 = arith.constant 16 : i32
    %mul3A_1057 = arith.muli %scan3A_1055, %mul3A_1056 : i32
    %get3A_1058 = arith.index_cast %mul3A_1057 : i32 to index
    %get3A_1059 = tpu.vector_load %arg4[%get3A_1058] {strides = array<i32>} : memref<512xf32, #tpu.memory_space<vmem>>, vector<16xf32>,
    %get3A_1060 = vector.shape_cast %get3A_1059 : vector<16xf32> to vector<16xf32>
    %sign3A_1061 = tpu.bitcast %get3A_1060 : vector<16xf32> -> vector<16xi32>
    %sign3A_1062 = arith.constant -2147483648 : i32
    %sign3A_1063 = vector.broadcast %sign3A_1062 : i32 to vector<16xi32>
    %sign3A_1064 = arith.andi %sign3A_1061, %sign3A_1063 : vector<16xi32>
    %sign3A_1065 = arith.constant 1065353216 : i32
    %sign3A_1066 = vector.broadcast %sign3A_1065 : i32 to vector<16xi32>
    %sign3A_1067 = arith.ori %sign3A_1066, %sign3A_1064 : vector<16xi32>
    %sign3A_1068 = tpu.bitcast %sign3A_1067 : vector<16xi32> -> vector<16xf32>
    %sign3A_1069 = math.absf %get3A_1060 : vector<16xf32>
    %sign3A_1070 = arith.constant 0.000000e+00 : f32
    %sign3A_1071 = vector.broadcast %sign3A_1070 : f32 to vector<16xf32>
    %sign3A_1072 = arith.cmpf ogt, %sign3A_1069, %sign3A_1071 : vector<16xf32>
    %sign3A_1073 = arith.select %sign3A_1072, %sign3A_1068, %get3A_1060 : vector<16xi1>, vector<16xf32>
    %mul3A_1074 = arith.mulf %sign3A_1073, %max3A_986 : vector<16xf32>
    %sub3A_1075 = arith.subf %mul3A_1074, %div3A_993 : vector<16xf32>
    %max3A_1076 = arith.constant 0.000000e+00 : f32
    %max3A_1077 = vector.broadcast %max3A_1076 : f32 to vector<16xf32>
    %max3A_1078 = arith.maximumf %sub3A_1075, %max3A_1077 : vector<16xf32>
    %mul3A_1079 = arith.constant 16 : i32
    %mul3A_1080 = arith.muli %scan3A_1055, %mul3A_1079 : i32
    %swap3A_1081 = arith.index_cast %mul3A_1080 : i32 to index
    %swap3A_1082 = tpu.vector_load %arg5[%swap3A_1081] {strides = array<i32>} : memref<512xf32, #tpu.memory_space<vmem>>, vector<16xf32>,
    %swap3A_1083 = vector.shape_cast %swap3A_1082 : vector<16xf32> to vector<16xf32>
    %swap3A_1084 = vector.shape_cast %max3A_1078 : vector<16xf32> to vector<16xf32>
    tpu.vector_store %arg5[%swap3A_1081], %swap3A_1084 {strides = array<i32>} : memref<512xf32, #tpu.memory_space<vmem>>, vector<16xf32>,
    %scan3A_1085 = arith.constant 3 : i32
    %mul3A_1086 = arith.constant 16 : i32
    %mul3A_1087 = arith.muli %scan3A_1085, %mul3A_1086 : i32
    %get3A_1088 = arith.index_cast %mul3A_1087 : i32 to index
    %get3A_1089 = tpu.vector_load %arg4[%get3A_1088] {strides = array<i32>} : memref<512xf32, #tpu.memory_space<vmem>>, vector<16xf32>,
    %get3A_1090 = vector.shape_cast %get3A_1089 : vector<16xf32> to vector<16xf32>
    %sign3A_1091 = tpu.bitcast %get3A_1090 : vector<16xf32> -> vector<16xi32>
    %sign3A_1092 = arith.constant -2147483648 : i32
    %sign3A_1093 = vector.broadcast %sign3A_1092 : i32 to vector<16xi32>
    %sign3A_1094 = arith.andi %sign3A_1091, %sign3A_1093 : vector<16xi32>
    %sign3A_1095 = arith.constant 1065353216 : i32
    %sign3A_1096 = vector.broadcast %sign3A_1095 : i32 to vector<16xi32>
    %sign3A_1097 = arith.ori %sign3A_1096, %sign3A_1094 : vector<16xi32>
    %sign3A_1098 = tpu.bitcast %sign3A_1097 : vector<16xi32> -> vector<16xf32>
    %sign3A_1099 = math.absf %get3A_1090 : vector<16xf32>
    %sign3A_1100 = arith.constant 0.000000e+00 : f32
    %sign3A_1101 = vector.broadcast %sign3A_1100 : f32 to vector<16xf32>
    %sign3A_1102 = arith.cmpf ogt, %sign3A_1099, %sign3A_1101 : vector<16xf32>
    %sign3A_1103 = arith.select %sign3A_1102, %sign3A_1098, %get3A_1090 : vector<16xi1>, vector<16xf32>
    %mul3A_1104 = arith.mulf %sign3A_1103, %max3A_986 : vector<16xf32>
    %sub3A_1105 = arith.subf %mul3A_1104, %div3A_993 : vector<16xf32>
    %max3A_1106 = arith.constant 0.000000e+00 : f32
    %max3A_1107 = vector.broadcast %max3A_1106 : f32 to vector<16xf32>
    %max3A_1108 = arith.maximumf %sub3A_1105, %max3A_1107 : vector<16xf32>
    %mul3A_1109 = arith.constant 16 : i32
    %mul3A_1110 = arith.muli %scan3A_1085, %mul3A_1109 : i32
    %swap3A_1111 = arith.index_cast %mul3A_1110 : i32 to index
    %swap3A_1112 = tpu.vector_load %arg5[%swap3A_1111] {strides = array<i32>} : memref<512xf32, #tpu.memory_space<vmem>>, vector<16xf32>,
    %swap3A_1113 = vector.shape_cast %swap3A_1112 : vector<16xf32> to vector<16xf32>
    %swap3A_1114 = vector.shape_cast %max3A_1108 : vector<16xf32> to vector<16xf32>
    tpu.vector_store %arg5[%swap3A_1111], %swap3A_1114 {strides = array<i32>} : memref<512xf32, #tpu.memory_space<vmem>>, vector<16xf32>,
    %scan3A_1115 = arith.constant 4 : i32
    %mul3A_1116 = arith.constant 16 : i32
    %mul3A_1117 = arith.muli %scan3A_1115, %mul3A_1116 : i32
    %get3A_1118 = arith.index_cast %mul3A_1117 : i32 to index
    %get3A_1119 = tpu.vector_load %arg4[%get3A_1118] {strides = array<i32>} : memref<512xf32, #tpu.memory_space<vmem>>, vector<16xf32>,
    %get3A_1120 = vector.shape_cast %get3A_1119 : vector<16xf32> to vector<16xf32>
    %sign3A_1121 = tpu.bitcast %get3A_1120 : vector<16xf32> -> vector<16xi32>
    %sign3A_1122 = arith.constant -2147483648 : i32
    %sign3A_1123 = vector.broadcast %sign3A_1122 : i32 to vector<16xi32>
    %sign3A_1124 = arith.andi %sign3A_1121, %sign3A_1123 : vector<16xi32>
    %sign3A_1125 = arith.constant 1065353216 : i32
    %sign3A_1126 = vector.broadcast %sign3A_1125 : i32 to vector<16xi32>
    %sign3A_1127 = arith.ori %sign3A_1126, %sign3A_1124 : vector<16xi32>
    %sign3A_1128 = tpu.bitcast %sign3A_1127 : vector<16xi32> -> vector<16xf32>
    %sign3A_1129 = math.absf %get3A_1120 : vector<16xf32>
    %sign3A_1130 = arith.constant 0.000000e+00 : f32
    %sign3A_1131 = vector.broadcast %sign3A_1130 : f32 to vector<16xf32>
    %sign3A_1132 = arith.cmpf ogt, %sign3A_1129, %sign3A_1131 : vector<16xf32>
    %sign3A_1133 = arith.select %sign3A_1132, %sign3A_1128, %get3A_1120 : vector<16xi1>, vector<16xf32>
    %mul3A_1134 = arith.mulf %sign3A_1133, %max3A_986 : vector<16xf32>
    %sub3A_1135 = arith.subf %mul3A_1134, %div3A_993 : vector<16xf32>
    %max3A_1136 = arith.constant 0.000000e+00 : f32
    %max3A_1137 = vector.broadcast %max3A_1136 : f32 to vector<16xf32>
    %max3A_1138 = arith.maximumf %sub3A_1135, %max3A_1137 : vector<16xf32>
    %mul3A_1139 = arith.constant 16 : i32
    %mul3A_1140 = arith.muli %scan3A_1115, %mul3A_1139 : i32
    %swap3A_1141 = arith.index_cast %mul3A_1140 : i32 to index
    %swap3A_1142 = tpu.vector_load %arg5[%swap3A_1141] {strides = array<i32>} : memref<512xf32, #tpu.memory_space<vmem>>, vector<16xf32>,
    %swap3A_1143 = vector.shape_cast %swap3A_1142 : vector<16xf32> to vector<16xf32>
    %swap3A_1144 = vector.shape_cast %max3A_1138 : vector<16xf32> to vector<16xf32>
    tpu.vector_store %arg5[%swap3A_1141], %swap3A_1144 {strides = array<i32>} : memref<512xf32, #tpu.memory_space<vmem>>, vector<16xf32>,
    %scan3A_1145 = arith.constant 5 : i32
    %mul3A_1146 = arith.constant 16 : i32
    %mul3A_1147 = arith.muli %scan3A_1145, %mul3A_1146 : i32
    %get3A_1148 = arith.index_cast %mul3A_1147 : i32 to index
    %get3A_1149 = tpu.vector_load %arg4[%get3A_1148] {strides = array<i32>} : memref<512xf32, #tpu.memory_space<vmem>>, vector<16xf32>,
    %get3A_1150 = vector.shape_cast %get3A_1149 : vector<16xf32> to vector<16xf32>
    %sign3A_1151 = tpu.bitcast %get3A_1150 : vector<16xf32> -> vector<16xi32>
    %sign3A_1152 = arith.constant -2147483648 : i32
    %sign3A_1153 = vector.broadcast %sign3A_1152 : i32 to vector<16xi32>
    %sign3A_1154 = arith.andi %sign3A_1151, %sign3A_1153 : vector<16xi32>
    %sign3A_1155 = arith.constant 1065353216 : i32
    %sign3A_1156 = vector.broadcast %sign3A_1155 : i32 to vector<16xi32>
    %sign3A_1157 = arith.ori %sign3A_1156, %sign3A_1154 : vector<16xi32>
    %sign3A_1158 = tpu.bitcast %sign3A_1157 : vector<16xi32> -> vector<16xf32>
    %sign3A_1159 = math.absf %get3A_1150 : vector<16xf32>
    %sign3A_1160 = arith.constant 0.000000e+00 : f32
    %sign3A_1161 = vector.broadcast %sign3A_1160 : f32 to vector<16xf32>
    %sign3A_1162 = arith.cmpf ogt, %sign3A_1159, %sign3A_1161 : vector<16xf32>
    %sign3A_1163 = arith.select %sign3A_1162, %sign3A_1158, %get3A_1150 : vector<16xi1>, vector<16xf32>
    %mul3A_1164 = arith.mulf %sign3A_1163, %max3A_986 : vector<16xf32>
    %sub3A_1165 = arith.subf %mul3A_1164, %div3A_993 : vector<16xf32>
    %max3A_1166 = arith.constant 0.000000e+00 : f32
    %max3A_1167 = vector.broadcast %max3A_1166 : f32 to vector<16xf32>
    %max3A_1168 = arith.maximumf %sub3A_1165, %max3A_1167 : vector<16xf32>
    %mul3A_1169 = arith.constant 16 : i32
    %mul3A_1170 = arith.muli %scan3A_1145, %mul3A_1169 : i32
    %swap3A_1171 = arith.index_cast %mul3A_1170 : i32 to index
    %swap3A_1172 = tpu.vector_load %arg5[%swap3A_1171] {strides = array<i32>} : memref<512xf32, #tpu.memory_space<vmem>>, vector<16xf32>,
    %swap3A_1173 = vector.shape_cast %swap3A_1172 : vector<16xf32> to vector<16xf32>
    %swap3A_1174 = vector.shape_cast %max3A_1168 : vector<16xf32> to vector<16xf32>
    tpu.vector_store %arg5[%swap3A_1171], %swap3A_1174 {strides = array<i32>} : memref<512xf32, #tpu.memory_space<vmem>>, vector<16xf32>,
    %scan3A_1175 = arith.constant 6 : i32
    %mul3A_1176 = arith.constant 16 : i32
    %mul3A_1177 = arith.muli %scan3A_1175, %mul3A_1176 : i32
    %get3A_1178 = arith.index_cast %mul3A_1177 : i32 to index
    %get3A_1179 = tpu.vector_load %arg4[%get3A_1178] {strides = array<i32>} : memref<512xf32, #tpu.memory_space<vmem>>, vector<16xf32>,
    %get3A_1180 = vector.shape_cast %get3A_1179 : vector<16xf32> to vector<16xf32>
    %sign3A_1181 = tpu.bitcast %get3A_1180 : vector<16xf32> -> vector<16xi32>
    %sign3A_1182 = arith.constant -2147483648 : i32
    %sign3A_1183 = vector.broadcast %sign3A_1182 : i32 to vector<16xi32>
    %sign3A_1184 = arith.andi %sign3A_1181, %sign3A_1183 : vector<16xi32>
    %sign3A_1185 = arith.constant 1065353216 : i32
    %sign3A_1186 = vector.broadcast %sign3A_1185 : i32 to vector<16xi32>
    %sign3A_1187 = arith.ori %sign3A_1186, %sign3A_1184 : vector<16xi32>
    %sign3A_1188 = tpu.bitcast %sign3A_1187 : vector<16xi32> -> vector<16xf32>
    %sign3A_1189 = math.absf %get3A_1180 : vector<16xf32>
    %sign3A_1190 = arith.constant 0.000000e+00 : f32
    %sign3A_1191 = vector.broadcast %sign3A_1190 : f32 to vector<16xf32>
    %sign3A_1192 = arith.cmpf ogt, %sign3A_1189, %sign3A_1191 : vector<16xf32>
    %sign3A_1193 = arith.select %sign3A_1192, %sign3A_1188, %get3A_1180 : vector<16xi1>, vector<16xf32>
    %mul3A_1194 = arith.mulf %sign3A_1193, %max3A_986 : vector<16xf32>
    %sub3A_1195 = arith.subf %mul3A_1194, %div3A_993 : vector<16xf32>
    %max3A_1196 = arith.constant 0.000000e+00 : f32
    %max3A_1197 = vector.broadcast %max3A_1196 : f32 to vector<16xf32>
    %max3A_1198 = arith.maximumf %sub3A_1195, %max3A_1197 : vector<16xf32>
    %mul3A_1199 = arith.constant 16 : i32
    %mul3A_1200 = arith.muli %scan3A_1175, %mul3A_1199 : i32
    %swap3A_1201 = arith.index_cast %mul3A_1200 : i32 to index
    %swap3A_1202 = tpu.vector_load %arg5[%swap3A_1201] {strides = array<i32>} : memref<512xf32, #tpu.memory_space<vmem>>, vector<16xf32>,
    %swap3A_1203 = vector.shape_cast %swap3A_1202 : vector<16xf32> to vector<16xf32>
    %swap3A_1204 = vector.shape_cast %max3A_1198 : vector<16xf32> to vector<16xf32>
    tpu.vector_store %arg5[%swap3A_1201], %swap3A_1204 {strides = array<i32>} : memref<512xf32, #tpu.memory_space<vmem>>, vector<16xf32>,
    %scan3A_1205 = arith.constant 7 : i32
    %mul3A_1206 = arith.constant 16 : i32
    %mul3A_1207 = arith.muli %scan3A_1205, %mul3A_1206 : i32
    %get3A_1208 = arith.index_cast %mul3A_1207 : i32 to index
    %get3A_1209 = tpu.vector_load %arg4[%get3A_1208] {strides = array<i32>} : memref<512xf32, #tpu.memory_space<vmem>>, vector<16xf32>,
    %get3A_1210 = vector.shape_cast %get3A_1209 : vector<16xf32> to vector<16xf32>
    %sign3A_1211 = tpu.bitcast %get3A_1210 : vector<16xf32> -> vector<16xi32>
    %sign3A_1212 = arith.constant -2147483648 : i32
    %sign3A_1213 = vector.broadcast %sign3A_1212 : i32 to vector<16xi32>
    %sign3A_1214 = arith.andi %sign3A_1211, %sign3A_1213 : vector<16xi32>
    %sign3A_1215 = arith.constant 1065353216 : i32
    %sign3A_1216 = vector.broadcast %sign3A_1215 : i32 to vector<16xi32>
    %sign3A_1217 = arith.ori %sign3A_1216, %sign3A_1214 : vector<16xi32>
    %sign3A_1218 = tpu.bitcast %sign3A_1217 : vector<16xi32> -> vector<16xf32>
    %sign3A_1219 = math.absf %get3A_1210 : vector<16xf32>
    %sign3A_1220 = arith.constant 0.000000e+00 : f32
    %sign3A_1221 = vector.broadcast %sign3A_1220 : f32 to vector<16xf32>
    %sign3A_1222 = arith.cmpf ogt, %sign3A_1219, %sign3A_1221 : vector<16xf32>
    %sign3A_1223 = arith.select %sign3A_1222, %sign3A_1218, %get3A_1210 : vector<16xi1>, vector<16xf32>
    %mul3A_1224 = arith.mulf %sign3A_1223, %max3A_986 : vector<16xf32>
    %sub3A_1225 = arith.subf %mul3A_1224, %div3A_993 : vector<16xf32>
    %max3A_1226 = arith.constant 0.000000e+00 : f32
    %max3A_1227 = vector.broadcast %max3A_1226 : f32 to vector<16xf32>
    %max3A_1228 = arith.maximumf %sub3A_1225, %max3A_1227 : vector<16xf32>
    %mul3A_1229 = arith.constant 16 : i32
    %mul3A_1230 = arith.muli %scan3A_1205, %mul3A_1229 : i32
    %swap3A_1231 = arith.index_cast %mul3A_1230 : i32 to index
    %swap3A_1232 = tpu.vector_load %arg5[%swap3A_1231] {strides = array<i32>} : memref<512xf32, #tpu.memory_space<vmem>>, vector<16xf32>,
    %swap3A_1233 = vector.shape_cast %swap3A_1232 : vector<16xf32> to vector<16xf32>
    %swap3A_1234 = vector.shape_cast %max3A_1228 : vector<16xf32> to vector<16xf32>
    tpu.vector_store %arg5[%swap3A_1231], %swap3A_1234 {strides = array<i32>} : memref<512xf32, #tpu.memory_space<vmem>>, vector<16xf32>,
    %scan3A_1235 = arith.constant 8 : i32
    %mul3A_1236 = arith.constant 16 : i32
    %mul3A_1237 = arith.muli %scan3A_1235, %mul3A_1236 : i32
    %get3A_1238 = arith.index_cast %mul3A_1237 : i32 to index
    %get3A_1239 = tpu.vector_load %arg4[%get3A_1238] {strides = array<i32>} : memref<512xf32, #tpu.memory_space<vmem>>, vector<16xf32>,
    %get3A_1240 = vector.shape_cast %get3A_1239 : vector<16xf32> to vector<16xf32>
    %sign3A_1241 = tpu.bitcast %get3A_1240 : vector<16xf32> -> vector<16xi32>
    %sign3A_1242 = arith.constant -2147483648 : i32
    %sign3A_1243 = vector.broadcast %sign3A_1242 : i32 to vector<16xi32>
    %sign3A_1244 = arith.andi %sign3A_1241, %sign3A_1243 : vector<16xi32>
    %sign3A_1245 = arith.constant 1065353216 : i32
    %sign3A_1246 = vector.broadcast %sign3A_1245 : i32 to vector<16xi32>
    %sign3A_1247 = arith.ori %sign3A_1246, %sign3A_1244 : vector<16xi32>
    %sign3A_1248 = tpu.bitcast %sign3A_1247 : vector<16xi32> -> vector<16xf32>
    %sign3A_1249 = math.absf %get3A_1240 : vector<16xf32>
    %sign3A_1250 = arith.constant 0.000000e+00 : f32
    %sign3A_1251 = vector.broadcast %sign3A_1250 : f32 to vector<16xf32>
    %sign3A_1252 = arith.cmpf ogt, %sign3A_1249, %sign3A_1251 : vector<16xf32>
    %sign3A_1253 = arith.select %sign3A_1252, %sign3A_1248, %get3A_1240 : vector<16xi1>, vector<16xf32>
    %mul3A_1254 = arith.mulf %sign3A_1253, %max3A_986 : vector<16xf32>
    %sub3A_1255 = arith.subf %mul3A_1254, %div3A_993 : vector<16xf32>
    %max3A_1256 = arith.constant 0.000000e+00 : f32
    %max3A_1257 = vector.broadcast %max3A_1256 : f32 to vector<16xf32>
    %max3A_1258 = arith.maximumf %sub3A_1255, %max3A_1257 : vector<16xf32>
    %mul3A_1259 = arith.constant 16 : i32
    %mul3A_1260 = arith.muli %scan3A_1235, %mul3A_1259 : i32
    %swap3A_1261 = arith.index_cast %mul3A_1260 : i32 to index
    %swap3A_1262 = tpu.vector_load %arg5[%swap3A_1261] {strides = array<i32>} : memref<512xf32, #tpu.memory_space<vmem>>, vector<16xf32>,
    %swap3A_1263 = vector.shape_cast %swap3A_1262 : vector<16xf32> to vector<16xf32>
    %swap3A_1264 = vector.shape_cast %max3A_1258 : vector<16xf32> to vector<16xf32>
    tpu.vector_store %arg5[%swap3A_1261], %swap3A_1264 {strides = array<i32>} : memref<512xf32, #tpu.memory_space<vmem>>, vector<16xf32>,
    %scan3A_1265 = arith.constant 9 : i32
    %mul3A_1266 = arith.constant 16 : i32
    %mul3A_1267 = arith.muli %scan3A_1265, %mul3A_1266 : i32
    %get3A_1268 = arith.index_cast %mul3A_1267 : i32 to index
    %get3A_1269 = tpu.vector_load %arg4[%get3A_1268] {strides = array<i32>} : memref<512xf32, #tpu.memory_space<vmem>>, vector<16xf32>,
    %get3A_1270 = vector.shape_cast %get3A_1269 : vector<16xf32> to vector<16xf32>
    %sign3A_1271 = tpu.bitcast %get3A_1270 : vector<16xf32> -> vector<16xi32>
    %sign3A_1272 = arith.constant -2147483648 : i32
    %sign3A_1273 = vector.broadcast %sign3A_1272 : i32 to vector<16xi32>
    %sign3A_1274 = arith.andi %sign3A_1271, %sign3A_1273 : vector<16xi32>
    %sign3A_1275 = arith.constant 1065353216 : i32
    %sign3A_1276 = vector.broadcast %sign3A_1275 : i32 to vector<16xi32>
    %sign3A_1277 = arith.ori %sign3A_1276, %sign3A_1274 : vector<16xi32>
    %sign3A_1278 = tpu.bitcast %sign3A_1277 : vector<16xi32> -> vector<16xf32>
    %sign3A_1279 = math.absf %get3A_1270 : vector<16xf32>
    %sign3A_1280 = arith.constant 0.000000e+00 : f32
    %sign3A_1281 = vector.broadcast %sign3A_1280 : f32 to vector<16xf32>
    %sign3A_1282 = arith.cmpf ogt, %sign3A_1279, %sign3A_1281 : vector<16xf32>
    %sign3A_1283 = arith.select %sign3A_1282, %sign3A_1278, %get3A_1270 : vector<16xi1>, vector<16xf32>
    %mul3A_1284 = arith.mulf %sign3A_1283, %max3A_986 : vector<16xf32>
    %sub3A_1285 = arith.subf %mul3A_1284, %div3A_993 : vector<16xf32>
    %max3A_1286 = arith.constant 0.000000e+00 : f32
    %max3A_1287 = vector.broadcast %max3A_1286 : f32 to vector<16xf32>
    %max3A_1288 = arith.maximumf %sub3A_1285, %max3A_1287 : vector<16xf32>
    %mul3A_1289 = arith.constant 16 : i32
    %mul3A_1290 = arith.muli %scan3A_1265, %mul3A_1289 : i32
    %swap3A_1291 = arith.index_cast %mul3A_1290 : i32 to index
    %swap3A_1292 = tpu.vector_load %arg5[%swap3A_1291] {strides = array<i32>} : memref<512xf32, #tpu.memory_space<vmem>>, vector<16xf32>,
    %swap3A_1293 = vector.shape_cast %swap3A_1292 : vector<16xf32> to vector<16xf32>
    %swap3A_1294 = vector.shape_cast %max3A_1288 : vector<16xf32> to vector<16xf32>
    tpu.vector_store %arg5[%swap3A_1291], %swap3A_1294 {strides = array<i32>} : memref<512xf32, #tpu.memory_space<vmem>>, vector<16xf32>,
    %scan3A_1295 = arith.constant 10 : i32
    %mul3A_1296 = arith.constant 16 : i32
    %mul3A_1297 = arith.muli %scan3A_1295, %mul3A_1296 : i32
    %get3A_1298 = arith.index_cast %mul3A_1297 : i32 to index
    %get3A_1299 = tpu.vector_load %arg4[%get3A_1298] {strides = array<i32>} : memref<512xf32, #tpu.memory_space<vmem>>, vector<16xf32>,
    %get3A_1300 = vector.shape_cast %get3A_1299 : vector<16xf32> to vector<16xf32>
    %sign3A_1301 = tpu.bitcast %get3A_1300 : vector<16xf32> -> vector<16xi32>
    %sign3A_1302 = arith.constant -2147483648 : i32
    %sign3A_1303 = vector.broadcast %sign3A_1302 : i32 to vector<16xi32>
    %sign3A_1304 = arith.andi %sign3A_1301, %sign3A_1303 : vector<16xi32>
    %sign3A_1305 = arith.constant 1065353216 : i32
    %sign3A_1306 = vector.broadcast %sign3A_1305 : i32 to vector<16xi32>
    %sign3A_1307 = arith.ori %sign3A_1306, %sign3A_1304 : vector<16xi32>
    %sign3A_1308 = tpu.bitcast %sign3A_1307 : vector<16xi32> -> vector<16xf32>
    %sign3A_1309 = math.absf %get3A_1300 : vector<16xf32>
    %sign3A_1310 = arith.constant 0.000000e+00 : f32
    %sign3A_1311 = vector.broadcast %sign3A_1310 : f32 to vector<16xf32>
    %sign3A_1312 = arith.cmpf ogt, %sign3A_1309, %sign3A_1311 : vector<16xf32>
    %sign3A_1313 = arith.select %sign3A_1312, %sign3A_1308, %get3A_1300 : vector<16xi1>, vector<16xf32>
    %mul3A_1314 = arith.mulf %sign3A_1313, %max3A_986 : vector<16xf32>
    %sub3A_1315 = arith.subf %mul3A_1314, %div3A_993 : vector<16xf32>
    %max3A_1316 = arith.constant 0.000000e+00 : f32
    %max3A_1317 = vector.broadcast %max3A_1316 : f32 to vector<16xf32>
    %max3A_1318 = arith.maximumf %sub3A_1315, %max3A_1317 : vector<16xf32>
    %mul3A_1319 = arith.constant 16 : i32
    %mul3A_1320 = arith.muli %scan3A_1295, %mul3A_1319 : i32
    %swap3A_1321 = arith.index_cast %mul3A_1320 : i32 to index
    %swap3A_1322 = tpu.vector_load %arg5[%swap3A_1321] {strides = array<i32>} : memref<512xf32, #tpu.memory_space<vmem>>, vector<16xf32>,
    %swap3A_1323 = vector.shape_cast %swap3A_1322 : vector<16xf32> to vector<16xf32>
    %swap3A_1324 = vector.shape_cast %max3A_1318 : vector<16xf32> to vector<16xf32>
    tpu.vector_store %arg5[%swap3A_1321], %swap3A_1324 {strides = array<i32>} : memref<512xf32, #tpu.memory_space<vmem>>, vector<16xf32>,
    %scan3A_1325 = arith.constant 11 : i32
    %mul3A_1326 = arith.constant 16 : i32
    %mul3A_1327 = arith.muli %scan3A_1325, %mul3A_1326 : i32
    %get3A_1328 = arith.index_cast %mul3A_1327 : i32 to index
    %get3A_1329 = tpu.vector_load %arg4[%get3A_1328] {strides = array<i32>} : memref<512xf32, #tpu.memory_space<vmem>>, vector<16xf32>,
    %get3A_1330 = vector.shape_cast %get3A_1329 : vector<16xf32> to vector<16xf32>
    %sign3A_1331 = tpu.bitcast %get3A_1330 : vector<16xf32> -> vector<16xi32>
    %sign3A_1332 = arith.constant -2147483648 : i32
    %sign3A_1333 = vector.broadcast %sign3A_1332 : i32 to vector<16xi32>
    %sign3A_1334 = arith.andi %sign3A_1331, %sign3A_1333 : vector<16xi32>
    %sign3A_1335 = arith.constant 1065353216 : i32
    %sign3A_1336 = vector.broadcast %sign3A_1335 : i32 to vector<16xi32>
    %sign3A_1337 = arith.ori %sign3A_1336, %sign3A_1334 : vector<16xi32>
    %sign3A_1338 = tpu.bitcast %sign3A_1337 : vector<16xi32> -> vector<16xf32>
    %sign3A_1339 = math.absf %get3A_1330 : vector<16xf32>
    %sign3A_1340 = arith.constant 0.000000e+00 : f32
    %sign3A_1341 = vector.broadcast %sign3A_1340 : f32 to vector<16xf32>
    %sign3A_1342 = arith.cmpf ogt, %sign3A_1339, %sign3A_1341 : vector<16xf32>
    %sign3A_1343 = arith.select %sign3A_1342, %sign3A_1338, %get3A_1330 : vector<16xi1>, vector<16xf32>
    %mul3A_1344 = arith.mulf %sign3A_1343, %max3A_986 : vector<16xf32>
    %sub3A_1345 = arith.subf %mul3A_1344, %div3A_993 : vector<16xf32>
    %max3A_1346 = arith.constant 0.000000e+00 : f32
    %max3A_1347 = vector.broadcast %max3A_1346 : f32 to vector<16xf32>
    %max3A_1348 = arith.maximumf %sub3A_1345, %max3A_1347 : vector<16xf32>
    %mul3A_1349 = arith.constant 16 : i32
    %mul3A_1350 = arith.muli %scan3A_1325, %mul3A_1349 : i32
    %swap3A_1351 = arith.index_cast %mul3A_1350 : i32 to index
    %swap3A_1352 = tpu.vector_load %arg5[%swap3A_1351] {strides = array<i32>} : memref<512xf32, #tpu.memory_space<vmem>>, vector<16xf32>,
    %swap3A_1353 = vector.shape_cast %swap3A_1352 : vector<16xf32> to vector<16xf32>
    %swap3A_1354 = vector.shape_cast %max3A_1348 : vector<16xf32> to vector<16xf32>
    tpu.vector_store %arg5[%swap3A_1351], %swap3A_1354 {strides = array<i32>} : memref<512xf32, #tpu.memory_space<vmem>>, vector<16xf32>,
    %scan3A_1355 = arith.constant 12 : i32
    %mul3A_1356 = arith.constant 16 : i32
    %mul3A_1357 = arith.muli %scan3A_1355, %mul3A_1356 : i32
    %get3A_1358 = arith.index_cast %mul3A_1357 : i32 to index
    %get3A_1359 = tpu.vector_load %arg4[%get3A_1358] {strides = array<i32>} : memref<512xf32, #tpu.memory_space<vmem>>, vector<16xf32>,
    %get3A_1360 = vector.shape_cast %get3A_1359 : vector<16xf32> to vector<16xf32>
    %sign3A_1361 = tpu.bitcast %get3A_1360 : vector<16xf32> -> vector<16xi32>
    %sign3A_1362 = arith.constant -2147483648 : i32
    %sign3A_1363 = vector.broadcast %sign3A_1362 : i32 to vector<16xi32>
    %sign3A_1364 = arith.andi %sign3A_1361, %sign3A_1363 : vector<16xi32>
    %sign3A_1365 = arith.constant 1065353216 : i32
    %sign3A_1366 = vector.broadcast %sign3A_1365 : i32 to vector<16xi32>
    %sign3A_1367 = arith.ori %sign3A_1366, %sign3A_1364 : vector<16xi32>
    %sign3A_1368 = tpu.bitcast %sign3A_1367 : vector<16xi32> -> vector<16xf32>
    %sign3A_1369 = math.absf %get3A_1360 : vector<16xf32>
    %sign3A_1370 = arith.constant 0.000000e+00 : f32
    %sign3A_1371 = vector.broadcast %sign3A_1370 : f32 to vector<16xf32>
    %sign3A_1372 = arith.cmpf ogt, %sign3A_1369, %sign3A_1371 : vector<16xf32>
    %sign3A_1373 = arith.select %sign3A_1372, %sign3A_1368, %get3A_1360 : vector<16xi1>, vector<16xf32>
    %mul3A_1374 = arith.mulf %sign3A_1373, %max3A_986 : vector<16xf32>
    %sub3A_1375 = arith.subf %mul3A_1374, %div3A_993 : vector<16xf32>
    %max3A_1376 = arith.constant 0.000000e+00 : f32
    %max3A_1377 = vector.broadcast %max3A_1376 : f32 to vector<16xf32>
    %max3A_1378 = arith.maximumf %sub3A_1375, %max3A_1377 : vector<16xf32>
    %mul3A_1379 = arith.constant 16 : i32
    %mul3A_1380 = arith.muli %scan3A_1355, %mul3A_1379 : i32
    %swap3A_1381 = arith.index_cast %mul3A_1380 : i32 to index
    %swap3A_1382 = tpu.vector_load %arg5[%swap3A_1381] {strides = array<i32>} : memref<512xf32, #tpu.memory_space<vmem>>, vector<16xf32>,
    %swap3A_1383 = vector.shape_cast %swap3A_1382 : vector<16xf32> to vector<16xf32>
    %swap3A_1384 = vector.shape_cast %max3A_1378 : vector<16xf32> to vector<16xf32>
    tpu.vector_store %arg5[%swap3A_1381], %swap3A_1384 {strides = array<i32>} : memref<512xf32, #tpu.memory_space<vmem>>, vector<16xf32>,
    %scan3A_1385 = arith.constant 13 : i32
    %mul3A_1386 = arith.constant 16 : i32
    %mul3A_1387 = arith.muli %scan3A_1385, %mul3A_1386 : i32
    %get3A_1388 = arith.index_cast %mul3A_1387 : i32 to index
    %get3A_1389 = tpu.vector_load %arg4[%get3A_1388] {strides = array<i32>} : memref<512xf32, #tpu.memory_space<vmem>>, vector<16xf32>,
    %get3A_1390 = vector.shape_cast %get3A_1389 : vector<16xf32> to vector<16xf32>
    %sign3A_1391 = tpu.bitcast %get3A_1390 : vector<16xf32> -> vector<16xi32>
    %sign3A_1392 = arith.constant -2147483648 : i32
    %sign3A_1393 = vector.broadcast %sign3A_1392 : i32 to vector<16xi32>
    %sign3A_1394 = arith.andi %sign3A_1391, %sign3A_1393 : vector<16xi32>
    %sign3A_1395 = arith.constant 1065353216 : i32
    %sign3A_1396 = vector.broadcast %sign3A_1395 : i32 to vector<16xi32>
    %sign3A_1397 = arith.ori %sign3A_1396, %sign3A_1394 : vector<16xi32>
    %sign3A_1398 = tpu.bitcast %sign3A_1397 : vector<16xi32> -> vector<16xf32>
    %sign3A_1399 = math.absf %get3A_1390 : vector<16xf32>
    %sign3A_1400 = arith.constant 0.000000e+00 : f32
    %sign3A_1401 = vector.broadcast %sign3A_1400 : f32 to vector<16xf32>
    %sign3A_1402 = arith.cmpf ogt, %sign3A_1399, %sign3A_1401 : vector<16xf32>
    %sign3A_1403 = arith.select %sign3A_1402, %sign3A_1398, %get3A_1390 : vector<16xi1>, vector<16xf32>
    %mul3A_1404 = arith.mulf %sign3A_1403, %max3A_986 : vector<16xf32>
    %sub3A_1405 = arith.subf %mul3A_1404, %div3A_993 : vector<16xf32>
    %max3A_1406 = arith.constant 0.000000e+00 : f32
    %max3A_1407 = vector.broadcast %max3A_1406 : f32 to vector<16xf32>
    %max3A_1408 = arith.maximumf %sub3A_1405, %max3A_1407 : vector<16xf32>
    %mul3A_1409 = arith.constant 16 : i32
    %mul3A_1410 = arith.muli %scan3A_1385, %mul3A_1409 : i32
    %swap3A_1411 = arith.index_cast %mul3A_1410 : i32 to index
    %swap3A_1412 = tpu.vector_load %arg5[%swap3A_1411] {strides = array<i32>} : memref<512xf32, #tpu.memory_space<vmem>>, vector<16xf32>,
    %swap3A_1413 = vector.shape_cast %swap3A_1412 : vector<16xf32> to vector<16xf32>
    %swap3A_1414 = vector.shape_cast %max3A_1408 : vector<16xf32> to vector<16xf32>
    tpu.vector_store %arg5[%swap3A_1411], %swap3A_1414 {strides = array<i32>} : memref<512xf32, #tpu.memory_space<vmem>>, vector<16xf32>,
    %scan3A_1415 = arith.constant 14 : i32
    %mul3A_1416 = arith.constant 16 : i32
    %mul3A_1417 = arith.muli %scan3A_1415, %mul3A_1416 : i32
    %get3A_1418 = arith.index_cast %mul3A_1417 : i32 to index
    %get3A_1419 = tpu.vector_load %arg4[%get3A_1418] {strides = array<i32>} : memref<512xf32, #tpu.memory_space<vmem>>, vector<16xf32>,
    %get3A_1420 = vector.shape_cast %get3A_1419 : vector<16xf32> to vector<16xf32>
    %sign3A_1421 = tpu.bitcast %get3A_1420 : vector<16xf32> -> vector<16xi32>
    %sign3A_1422 = arith.constant -2147483648 : i32
    %sign3A_1423 = vector.broadcast %sign3A_1422 : i32 to vector<16xi32>
    %sign3A_1424 = arith.andi %sign3A_1421, %sign3A_1423 : vector<16xi32>
    %sign3A_1425 = arith.constant 1065353216 : i32
    %sign3A_1426 = vector.broadcast %sign3A_1425 : i32 to vector<16xi32>
    %sign3A_1427 = arith.ori %sign3A_1426, %sign3A_1424 : vector<16xi32>
    %sign3A_1428 = tpu.bitcast %sign3A_1427 : vector<16xi32> -> vector<16xf32>
    %sign3A_1429 = math.absf %get3A_1420 : vector<16xf32>
    %sign3A_1430 = arith.constant 0.000000e+00 : f32
    %sign3A_1431 = vector.broadcast %sign3A_1430 : f32 to vector<16xf32>
    %sign3A_1432 = arith.cmpf ogt, %sign3A_1429, %sign3A_1431 : vector<16xf32>
    %sign3A_1433 = arith.select %sign3A_1432, %sign3A_1428, %get3A_1420 : vector<16xi1>, vector<16xf32>
    %mul3A_1434 = arith.mulf %sign3A_1433, %max3A_986 : vector<16xf32>
    %sub3A_1435 = arith.subf %mul3A_1434, %div3A_993 : vector<16xf32>
    %max3A_1436 = arith.constant 0.000000e+00 : f32
    %max3A_1437 = vector.broadcast %max3A_1436 : f32 to vector<16xf32>
    %max3A_1438 = arith.maximumf %sub3A_1435, %max3A_1437 : vector<16xf32>
    %mul3A_1439 = arith.constant 16 : i32
    %mul3A_1440 = arith.muli %scan3A_1415, %mul3A_1439 : i32
    %swap3A_1441 = arith.index_cast %mul3A_1440 : i32 to index
    %swap3A_1442 = tpu.vector_load %arg5[%swap3A_1441] {strides = array<i32>} : memref<512xf32, #tpu.memory_space<vmem>>, vector<16xf32>,
    %swap3A_1443 = vector.shape_cast %swap3A_1442 : vector<16xf32> to vector<16xf32>
    %swap3A_1444 = vector.shape_cast %max3A_1438 : vector<16xf32> to vector<16xf32>
    tpu.vector_store %arg5[%swap3A_1441], %swap3A_1444 {strides = array<i32>} : memref<512xf32, #tpu.memory_space<vmem>>, vector<16xf32>,
    %scan3A_1445 = arith.constant 15 : i32
    %mul3A_1446 = arith.constant 16 : i32
    %mul3A_1447 = arith.muli %scan3A_1445, %mul3A_1446 : i32
    %get3A_1448 = arith.index_cast %mul3A_1447 : i32 to index
    %get3A_1449 = tpu.vector_load %arg4[%get3A_1448] {strides = array<i32>} : memref<512xf32, #tpu.memory_space<vmem>>, vector<16xf32>,
    %get3A_1450 = vector.shape_cast %get3A_1449 : vector<16xf32> to vector<16xf32>
    %sign3A_1451 = tpu.bitcast %get3A_1450 : vector<16xf32> -> vector<16xi32>
    %sign3A_1452 = arith.constant -2147483648 : i32
    %sign3A_1453 = vector.broadcast %sign3A_1452 : i32 to vector<16xi32>
    %sign3A_1454 = arith.andi %sign3A_1451, %sign3A_1453 : vector<16xi32>
    %sign3A_1455 = arith.constant 1065353216 : i32
    %sign3A_1456 = vector.broadcast %sign3A_1455 : i32 to vector<16xi32>
    %sign3A_1457 = arith.ori %sign3A_1456, %sign3A_1454 : vector<16xi32>
    %sign3A_1458 = tpu.bitcast %sign3A_1457 : vector<16xi32> -> vector<16xf32>
    %sign3A_1459 = math.absf %get3A_1450 : vector<16xf32>
    %sign3A_1460 = arith.constant 0.000000e+00 : f32
    %sign3A_1461 = vector.broadcast %sign3A_1460 : f32 to vector<16xf32>
    %sign3A_1462 = arith.cmpf ogt, %sign3A_1459, %sign3A_1461 : vector<16xf32>
    %sign3A_1463 = arith.select %sign3A_1462, %sign3A_1458, %get3A_1450 : vector<16xi1>, vector<16xf32>
    %mul3A_1464 = arith.mulf %sign3A_1463, %max3A_986 : vector<16xf32>
    %sub3A_1465 = arith.subf %mul3A_1464, %div3A_993 : vector<16xf32>
    %max3A_1466 = arith.constant 0.000000e+00 : f32
    %max3A_1467 = vector.broadcast %max3A_1466 : f32 to vector<16xf32>
    %max3A_1468 = arith.maximumf %sub3A_1465, %max3A_1467 : vector<16xf32>
    %mul3A_1469 = arith.constant 16 : i32
    %mul3A_1470 = arith.muli %scan3A_1445, %mul3A_1469 : i32
    %swap3A_1471 = arith.index_cast %mul3A_1470 : i32 to index
    %swap3A_1472 = tpu.vector_load %arg5[%swap3A_1471] {strides = array<i32>} : memref<512xf32, #tpu.memory_space<vmem>>, vector<16xf32>,
    %swap3A_1473 = vector.shape_cast %swap3A_1472 : vector<16xf32> to vector<16xf32>
    %swap3A_1474 = vector.shape_cast %max3A_1468 : vector<16xf32> to vector<16xf32>
    tpu.vector_store %arg5[%swap3A_1471], %swap3A_1474 {strides = array<i32>} : memref<512xf32, #tpu.memory_space<vmem>>, vector<16xf32>,
    %scan3A_1475 = arith.constant 16 : i32
    %mul3A_1476 = arith.constant 512 : i32
    %mul3A_1477 = arith.muli %select_n3A_30, %mul3A_1476 : i32
    %dma_start3A_1478 = arith.constant 0 : i32
    %dma_start3A_1479 = tpu.memref_slice %arg5[%dma_start3A_1478] : memref<512xf32, #tpu.memory_space<vmem>> -> memref<256xf32, #tpu.memory_space<vmem>>
    %dma_start3A_1480 = tpu.memref_slice %arg3[%add3A, %mul3A_1477] : memref<8x2048xf32, #tpu.memory_space<hbm>> -> memref<1x256xf32, #tpu.memory_space<hbm>>
    %dma_start3A_1481 = tpu.memref_squeeze %dma_start3A_1480 : memref<1x256xf32, #tpu.memory_space<hbm>> -> memref<256xf32, #tpu.memory_space<hbm>>
    %dma_start3A_1482 = tpu.memref_slice %arg3[%add3A, %mul3A_1477] : memref<8x2048xf32, #tpu.memory_space<hbm>> -> memref<1x256xf32, #tpu.memory_space<hbm>>
    %dma_start3A_1483 = tpu.memref_squeeze %dma_start3A_1482 : memref<1x256xf32, #tpu.memory_space<hbm>> -> memref<256xf32, #tpu.memory_space<hbm>>
    %dma_start3A_1484 = arith.constant 0 : i32
    %dma_start3A_1485 = tpu.memref_slice %arg5[%dma_start3A_1484] : memref<512xf32, #tpu.memory_space<vmem>> -> memref<256xf32, #tpu.memory_space<vmem>>
    tpu.enqueue_dma source(%dma_start3A_1485 : memref<256xf32, #tpu.memory_space<vmem>>) target(%dma_start3A_1483 : memref<256xf32, #tpu.memory_space<hbm>>) target_semaphore(%arg11 : memref<!tpu.dma_semaphore, #tpu.memory_space<semaphore_mem>>)
    %scan3A_1486 = arith.constant 0 : i32
    %scan3A_1487 = arith.constant 16 : i32
    %mul3A_1488 = arith.constant 16 : i32
    %mul3A_1489 = arith.muli %scan3A_1487, %mul3A_1488 : i32
    %get3A_1490 = arith.index_cast %mul3A_1489 : i32 to index
    %get3A_1491 = tpu.vector_load %arg4[%get3A_1490] {strides = array<i32>} : memref<512xf32, #tpu.memory_space<vmem>>, vector<16xf32>,
    %get3A_1492 = vector.shape_cast %get3A_1491 : vector<16xf32> to vector<16xf32>
    %sign3A_1493 = tpu.bitcast %get3A_1492 : vector<16xf32> -> vector<16xi32>
    %sign3A_1494 = arith.constant -2147483648 : i32
    %sign3A_1495 = vector.broadcast %sign3A_1494 : i32 to vector<16xi32>
    %sign3A_1496 = arith.andi %sign3A_1493, %sign3A_1495 : vector<16xi32>
    %sign3A_1497 = arith.constant 1065353216 : i32
    %sign3A_1498 = vector.broadcast %sign3A_1497 : i32 to vector<16xi32>
    %sign3A_1499 = arith.ori %sign3A_1498, %sign3A_1496 : vector<16xi32>
    %sign3A_1500 = tpu.bitcast %sign3A_1499 : vector<16xi32> -> vector<16xf32>
    %sign3A_1501 = math.absf %get3A_1492 : vector<16xf32>
    %sign3A_1502 = arith.constant 0.000000e+00 : f32
    %sign3A_1503 = vector.broadcast %sign3A_1502 : f32 to vector<16xf32>
    %sign3A_1504 = arith.cmpf ogt, %sign3A_1501, %sign3A_1503 : vector<16xf32>
    %sign3A_1505 = arith.select %sign3A_1504, %sign3A_1500, %get3A_1492 : vector<16xi1>, vector<16xf32>
    %mul3A_1506 = arith.mulf %sign3A_1505, %max3A_986 : vector<16xf32>
    %sub3A_1507 = arith.subf %mul3A_1506, %div3A_993 : vector<16xf32>
    %max3A_1508 = arith.constant 0.000000e+00 : f32
    %max3A_1509 = vector.broadcast %max3A_1508 : f32 to vector<16xf32>
    %max3A_1510 = arith.maximumf %sub3A_1507, %max3A_1509 : vector<16xf32>
    %mul3A_1511 = arith.constant 16 : i32
    %mul3A_1512 = arith.muli %scan3A_1487, %mul3A_1511 : i32
    %swap3A_1513 = arith.index_cast %mul3A_1512 : i32 to index
    %swap3A_1514 = tpu.vector_load %arg5[%swap3A_1513] {strides = array<i32>} : memref<512xf32, #tpu.memory_space<vmem>>, vector<16xf32>,
    %swap3A_1515 = vector.shape_cast %swap3A_1514 : vector<16xf32> to vector<16xf32>
    %swap3A_1516 = vector.shape_cast %max3A_1510 : vector<16xf32> to vector<16xf32>
    tpu.vector_store %arg5[%swap3A_1513], %swap3A_1516 {strides = array<i32>} : memref<512xf32, #tpu.memory_space<vmem>>, vector<16xf32>,
    %scan3A_1517 = arith.constant 17 : i32
    %mul3A_1518 = arith.constant 16 : i32
    %mul3A_1519 = arith.muli %scan3A_1517, %mul3A_1518 : i32
    %get3A_1520 = arith.index_cast %mul3A_1519 : i32 to index
    %get3A_1521 = tpu.vector_load %arg4[%get3A_1520] {strides = array<i32>} : memref<512xf32, #tpu.memory_space<vmem>>, vector<16xf32>,
    %get3A_1522 = vector.shape_cast %get3A_1521 : vector<16xf32> to vector<16xf32>
    %sign3A_1523 = tpu.bitcast %get3A_1522 : vector<16xf32> -> vector<16xi32>
    %sign3A_1524 = arith.constant -2147483648 : i32
    %sign3A_1525 = vector.broadcast %sign3A_1524 : i32 to vector<16xi32>
    %sign3A_1526 = arith.andi %sign3A_1523, %sign3A_1525 : vector<16xi32>
    %sign3A_1527 = arith.constant 1065353216 : i32
    %sign3A_1528 = vector.broadcast %sign3A_1527 : i32 to vector<16xi32>
    %sign3A_1529 = arith.ori %sign3A_1528, %sign3A_1526 : vector<16xi32>
    %sign3A_1530 = tpu.bitcast %sign3A_1529 : vector<16xi32> -> vector<16xf32>
    %sign3A_1531 = math.absf %get3A_1522 : vector<16xf32>
    %sign3A_1532 = arith.constant 0.000000e+00 : f32
    %sign3A_1533 = vector.broadcast %sign3A_1532 : f32 to vector<16xf32>
    %sign3A_1534 = arith.cmpf ogt, %sign3A_1531, %sign3A_1533 : vector<16xf32>
    %sign3A_1535 = arith.select %sign3A_1534, %sign3A_1530, %get3A_1522 : vector<16xi1>, vector<16xf32>
    %mul3A_1536 = arith.mulf %sign3A_1535, %max3A_986 : vector<16xf32>
    %sub3A_1537 = arith.subf %mul3A_1536, %div3A_993 : vector<16xf32>
    %max3A_1538 = arith.constant 0.000000e+00 : f32
    %max3A_1539 = vector.broadcast %max3A_1538 : f32 to vector<16xf32>
    %max3A_1540 = arith.maximumf %sub3A_1537, %max3A_1539 : vector<16xf32>
    %mul3A_1541 = arith.constant 16 : i32
    %mul3A_1542 = arith.muli %scan3A_1517, %mul3A_1541 : i32
    %swap3A_1543 = arith.index_cast %mul3A_1542 : i32 to index
    %swap3A_1544 = tpu.vector_load %arg5[%swap3A_1543] {strides = array<i32>} : memref<512xf32, #tpu.memory_space<vmem>>, vector<16xf32>,
    %swap3A_1545 = vector.shape_cast %swap3A_1544 : vector<16xf32> to vector<16xf32>
    %swap3A_1546 = vector.shape_cast %max3A_1540 : vector<16xf32> to vector<16xf32>
    tpu.vector_store %arg5[%swap3A_1543], %swap3A_1546 {strides = array<i32>} : memref<512xf32, #tpu.memory_space<vmem>>, vector<16xf32>,
    %scan3A_1547 = arith.constant 18 : i32
    %mul3A_1548 = arith.constant 16 : i32
    %mul3A_1549 = arith.muli %scan3A_1547, %mul3A_1548 : i32
    %get3A_1550 = arith.index_cast %mul3A_1549 : i32 to index
    %get3A_1551 = tpu.vector_load %arg4[%get3A_1550] {strides = array<i32>} : memref<512xf32, #tpu.memory_space<vmem>>, vector<16xf32>,
    %get3A_1552 = vector.shape_cast %get3A_1551 : vector<16xf32> to vector<16xf32>
    %sign3A_1553 = tpu.bitcast %get3A_1552 : vector<16xf32> -> vector<16xi32>
    %sign3A_1554 = arith.constant -2147483648 : i32
    %sign3A_1555 = vector.broadcast %sign3A_1554 : i32 to vector<16xi32>
    %sign3A_1556 = arith.andi %sign3A_1553, %sign3A_1555 : vector<16xi32>
    %sign3A_1557 = arith.constant 1065353216 : i32
    %sign3A_1558 = vector.broadcast %sign3A_1557 : i32 to vector<16xi32>
    %sign3A_1559 = arith.ori %sign3A_1558, %sign3A_1556 : vector<16xi32>
    %sign3A_1560 = tpu.bitcast %sign3A_1559 : vector<16xi32> -> vector<16xf32>
    %sign3A_1561 = math.absf %get3A_1552 : vector<16xf32>
    %sign3A_1562 = arith.constant 0.000000e+00 : f32
    %sign3A_1563 = vector.broadcast %sign3A_1562 : f32 to vector<16xf32>
    %sign3A_1564 = arith.cmpf ogt, %sign3A_1561, %sign3A_1563 : vector<16xf32>
    %sign3A_1565 = arith.select %sign3A_1564, %sign3A_1560, %get3A_1552 : vector<16xi1>, vector<16xf32>
    %mul3A_1566 = arith.mulf %sign3A_1565, %max3A_986 : vector<16xf32>
    %sub3A_1567 = arith.subf %mul3A_1566, %div3A_993 : vector<16xf32>
    %max3A_1568 = arith.constant 0.000000e+00 : f32
    %max3A_1569 = vector.broadcast %max3A_1568 : f32 to vector<16xf32>
    %max3A_1570 = arith.maximumf %sub3A_1567, %max3A_1569 : vector<16xf32>
    %mul3A_1571 = arith.constant 16 : i32
    %mul3A_1572 = arith.muli %scan3A_1547, %mul3A_1571 : i32
    %swap3A_1573 = arith.index_cast %mul3A_1572 : i32 to index
    %swap3A_1574 = tpu.vector_load %arg5[%swap3A_1573] {strides = array<i32>} : memref<512xf32, #tpu.memory_space<vmem>>, vector<16xf32>,
    %swap3A_1575 = vector.shape_cast %swap3A_1574 : vector<16xf32> to vector<16xf32>
    %swap3A_1576 = vector.shape_cast %max3A_1570 : vector<16xf32> to vector<16xf32>
    tpu.vector_store %arg5[%swap3A_1573], %swap3A_1576 {strides = array<i32>} : memref<512xf32, #tpu.memory_space<vmem>>, vector<16xf32>,
    %scan3A_1577 = arith.constant 19 : i32
    %mul3A_1578 = arith.constant 16 : i32
    %mul3A_1579 = arith.muli %scan3A_1577, %mul3A_1578 : i32
    %get3A_1580 = arith.index_cast %mul3A_1579 : i32 to index
    %get3A_1581 = tpu.vector_load %arg4[%get3A_1580] {strides = array<i32>} : memref<512xf32, #tpu.memory_space<vmem>>, vector<16xf32>,
    %get3A_1582 = vector.shape_cast %get3A_1581 : vector<16xf32> to vector<16xf32>
    %sign3A_1583 = tpu.bitcast %get3A_1582 : vector<16xf32> -> vector<16xi32>
    %sign3A_1584 = arith.constant -2147483648 : i32
    %sign3A_1585 = vector.broadcast %sign3A_1584 : i32 to vector<16xi32>
    %sign3A_1586 = arith.andi %sign3A_1583, %sign3A_1585 : vector<16xi32>
    %sign3A_1587 = arith.constant 1065353216 : i32
    %sign3A_1588 = vector.broadcast %sign3A_1587 : i32 to vector<16xi32>
    %sign3A_1589 = arith.ori %sign3A_1588, %sign3A_1586 : vector<16xi32>
    %sign3A_1590 = tpu.bitcast %sign3A_1589 : vector<16xi32> -> vector<16xf32>
    %sign3A_1591 = math.absf %get3A_1582 : vector<16xf32>
    %sign3A_1592 = arith.constant 0.000000e+00 : f32
    %sign3A_1593 = vector.broadcast %sign3A_1592 : f32 to vector<16xf32>
    %sign3A_1594 = arith.cmpf ogt, %sign3A_1591, %sign3A_1593 : vector<16xf32>
    %sign3A_1595 = arith.select %sign3A_1594, %sign3A_1590, %get3A_1582 : vector<16xi1>, vector<16xf32>
    %mul3A_1596 = arith.mulf %sign3A_1595, %max3A_986 : vector<16xf32>
    %sub3A_1597 = arith.subf %mul3A_1596, %div3A_993 : vector<16xf32>
    %max3A_1598 = arith.constant 0.000000e+00 : f32
    %max3A_1599 = vector.broadcast %max3A_1598 : f32 to vector<16xf32>
    %max3A_1600 = arith.maximumf %sub3A_1597, %max3A_1599 : vector<16xf32>
    %mul3A_1601 = arith.constant 16 : i32
    %mul3A_1602 = arith.muli %scan3A_1577, %mul3A_1601 : i32
    %swap3A_1603 = arith.index_cast %mul3A_1602 : i32 to index
    %swap3A_1604 = tpu.vector_load %arg5[%swap3A_1603] {strides = array<i32>} : memref<512xf32, #tpu.memory_space<vmem>>, vector<16xf32>,
    %swap3A_1605 = vector.shape_cast %swap3A_1604 : vector<16xf32> to vector<16xf32>
    %swap3A_1606 = vector.shape_cast %max3A_1600 : vector<16xf32> to vector<16xf32>
    tpu.vector_store %arg5[%swap3A_1603], %swap3A_1606 {strides = array<i32>} : memref<512xf32, #tpu.memory_space<vmem>>, vector<16xf32>,
    %scan3A_1607 = arith.constant 20 : i32
    %mul3A_1608 = arith.constant 16 : i32
    %mul3A_1609 = arith.muli %scan3A_1607, %mul3A_1608 : i32
    %get3A_1610 = arith.index_cast %mul3A_1609 : i32 to index
    %get3A_1611 = tpu.vector_load %arg4[%get3A_1610] {strides = array<i32>} : memref<512xf32, #tpu.memory_space<vmem>>, vector<16xf32>,
    %get3A_1612 = vector.shape_cast %get3A_1611 : vector<16xf32> to vector<16xf32>
    %sign3A_1613 = tpu.bitcast %get3A_1612 : vector<16xf32> -> vector<16xi32>
    %sign3A_1614 = arith.constant -2147483648 : i32
    %sign3A_1615 = vector.broadcast %sign3A_1614 : i32 to vector<16xi32>
    %sign3A_1616 = arith.andi %sign3A_1613, %sign3A_1615 : vector<16xi32>
    %sign3A_1617 = arith.constant 1065353216 : i32
    %sign3A_1618 = vector.broadcast %sign3A_1617 : i32 to vector<16xi32>
    %sign3A_1619 = arith.ori %sign3A_1618, %sign3A_1616 : vector<16xi32>
    %sign3A_1620 = tpu.bitcast %sign3A_1619 : vector<16xi32> -> vector<16xf32>
    %sign3A_1621 = math.absf %get3A_1612 : vector<16xf32>
    %sign3A_1622 = arith.constant 0.000000e+00 : f32
    %sign3A_1623 = vector.broadcast %sign3A_1622 : f32 to vector<16xf32>
    %sign3A_1624 = arith.cmpf ogt, %sign3A_1621, %sign3A_1623 : vector<16xf32>
    %sign3A_1625 = arith.select %sign3A_1624, %sign3A_1620, %get3A_1612 : vector<16xi1>, vector<16xf32>
    %mul3A_1626 = arith.mulf %sign3A_1625, %max3A_986 : vector<16xf32>
    %sub3A_1627 = arith.subf %mul3A_1626, %div3A_993 : vector<16xf32>
    %max3A_1628 = arith.constant 0.000000e+00 : f32
    %max3A_1629 = vector.broadcast %max3A_1628 : f32 to vector<16xf32>
    %max3A_1630 = arith.maximumf %sub3A_1627, %max3A_1629 : vector<16xf32>
    %mul3A_1631 = arith.constant 16 : i32
    %mul3A_1632 = arith.muli %scan3A_1607, %mul3A_1631 : i32
    %swap3A_1633 = arith.index_cast %mul3A_1632 : i32 to index
    %swap3A_1634 = tpu.vector_load %arg5[%swap3A_1633] {strides = array<i32>} : memref<512xf32, #tpu.memory_space<vmem>>, vector<16xf32>,
    %swap3A_1635 = vector.shape_cast %swap3A_1634 : vector<16xf32> to vector<16xf32>
    %swap3A_1636 = vector.shape_cast %max3A_1630 : vector<16xf32> to vector<16xf32>
    tpu.vector_store %arg5[%swap3A_1633], %swap3A_1636 {strides = array<i32>} : memref<512xf32, #tpu.memory_space<vmem>>, vector<16xf32>,
    %scan3A_1637 = arith.constant 21 : i32
    %mul3A_1638 = arith.constant 16 : i32
    %mul3A_1639 = arith.muli %scan3A_1637, %mul3A_1638 : i32
    %get3A_1640 = arith.index_cast %mul3A_1639 : i32 to index
    %get3A_1641 = tpu.vector_load %arg4[%get3A_1640] {strides = array<i32>} : memref<512xf32, #tpu.memory_space<vmem>>, vector<16xf32>,
    %get3A_1642 = vector.shape_cast %get3A_1641 : vector<16xf32> to vector<16xf32>
    %sign3A_1643 = tpu.bitcast %get3A_1642 : vector<16xf32> -> vector<16xi32>
    %sign3A_1644 = arith.constant -2147483648 : i32
    %sign3A_1645 = vector.broadcast %sign3A_1644 : i32 to vector<16xi32>
    %sign3A_1646 = arith.andi %sign3A_1643, %sign3A_1645 : vector<16xi32>
    %sign3A_1647 = arith.constant 1065353216 : i32
    %sign3A_1648 = vector.broadcast %sign3A_1647 : i32 to vector<16xi32>
    %sign3A_1649 = arith.ori %sign3A_1648, %sign3A_1646 : vector<16xi32>
    %sign3A_1650 = tpu.bitcast %sign3A_1649 : vector<16xi32> -> vector<16xf32>
    %sign3A_1651 = math.absf %get3A_1642 : vector<16xf32>
    %sign3A_1652 = arith.constant 0.000000e+00 : f32
    %sign3A_1653 = vector.broadcast %sign3A_1652 : f32 to vector<16xf32>
    %sign3A_1654 = arith.cmpf ogt, %sign3A_1651, %sign3A_1653 : vector<16xf32>
    %sign3A_1655 = arith.select %sign3A_1654, %sign3A_1650, %get3A_1642 : vector<16xi1>, vector<16xf32>
    %mul3A_1656 = arith.mulf %sign3A_1655, %max3A_986 : vector<16xf32>
    %sub3A_1657 = arith.subf %mul3A_1656, %div3A_993 : vector<16xf32>
    %max3A_1658 = arith.constant 0.000000e+00 : f32
    %max3A_1659 = vector.broadcast %max3A_1658 : f32 to vector<16xf32>
    %max3A_1660 = arith.maximumf %sub3A_1657, %max3A_1659 : vector<16xf32>
    %mul3A_1661 = arith.constant 16 : i32
    %mul3A_1662 = arith.muli %scan3A_1637, %mul3A_1661 : i32
    %swap3A_1663 = arith.index_cast %mul3A_1662 : i32 to index
    %swap3A_1664 = tpu.vector_load %arg5[%swap3A_1663] {strides = array<i32>} : memref<512xf32, #tpu.memory_space<vmem>>, vector<16xf32>,
    %swap3A_1665 = vector.shape_cast %swap3A_1664 : vector<16xf32> to vector<16xf32>
    %swap3A_1666 = vector.shape_cast %max3A_1660 : vector<16xf32> to vector<16xf32>
    tpu.vector_store %arg5[%swap3A_1663], %swap3A_1666 {strides = array<i32>} : memref<512xf32, #tpu.memory_space<vmem>>, vector<16xf32>,
    %scan3A_1667 = arith.constant 22 : i32
    %mul3A_1668 = arith.constant 16 : i32
    %mul3A_1669 = arith.muli %scan3A_1667, %mul3A_1668 : i32
    %get3A_1670 = arith.index_cast %mul3A_1669 : i32 to index
    %get3A_1671 = tpu.vector_load %arg4[%get3A_1670] {strides = array<i32>} : memref<512xf32, #tpu.memory_space<vmem>>, vector<16xf32>,
    %get3A_1672 = vector.shape_cast %get3A_1671 : vector<16xf32> to vector<16xf32>
    %sign3A_1673 = tpu.bitcast %get3A_1672 : vector<16xf32> -> vector<16xi32>
    %sign3A_1674 = arith.constant -2147483648 : i32
    %sign3A_1675 = vector.broadcast %sign3A_1674 : i32 to vector<16xi32>
    %sign3A_1676 = arith.andi %sign3A_1673, %sign3A_1675 : vector<16xi32>
    %sign3A_1677 = arith.constant 1065353216 : i32
    %sign3A_1678 = vector.broadcast %sign3A_1677 : i32 to vector<16xi32>
    %sign3A_1679 = arith.ori %sign3A_1678, %sign3A_1676 : vector<16xi32>
    %sign3A_1680 = tpu.bitcast %sign3A_1679 : vector<16xi32> -> vector<16xf32>
    %sign3A_1681 = math.absf %get3A_1672 : vector<16xf32>
    %sign3A_1682 = arith.constant 0.000000e+00 : f32
    %sign3A_1683 = vector.broadcast %sign3A_1682 : f32 to vector<16xf32>
    %sign3A_1684 = arith.cmpf ogt, %sign3A_1681, %sign3A_1683 : vector<16xf32>
    %sign3A_1685 = arith.select %sign3A_1684, %sign3A_1680, %get3A_1672 : vector<16xi1>, vector<16xf32>
    %mul3A_1686 = arith.mulf %sign3A_1685, %max3A_986 : vector<16xf32>
    %sub3A_1687 = arith.subf %mul3A_1686, %div3A_993 : vector<16xf32>
    %max3A_1688 = arith.constant 0.000000e+00 : f32
    %max3A_1689 = vector.broadcast %max3A_1688 : f32 to vector<16xf32>
    %max3A_1690 = arith.maximumf %sub3A_1687, %max3A_1689 : vector<16xf32>
    %mul3A_1691 = arith.constant 16 : i32
    %mul3A_1692 = arith.muli %scan3A_1667, %mul3A_1691 : i32
    %swap3A_1693 = arith.index_cast %mul3A_1692 : i32 to index
    %swap3A_1694 = tpu.vector_load %arg5[%swap3A_1693] {strides = array<i32>} : memref<512xf32, #tpu.memory_space<vmem>>, vector<16xf32>,
    %swap3A_1695 = vector.shape_cast %swap3A_1694 : vector<16xf32> to vector<16xf32>
    %swap3A_1696 = vector.shape_cast %max3A_1690 : vector<16xf32> to vector<16xf32>
    tpu.vector_store %arg5[%swap3A_1693], %swap3A_1696 {strides = array<i32>} : memref<512xf32, #tpu.memory_space<vmem>>, vector<16xf32>,
    %scan3A_1697 = arith.constant 23 : i32
    %mul3A_1698 = arith.constant 16 : i32
    %mul3A_1699 = arith.muli %scan3A_1697, %mul3A_1698 : i32
    %get3A_1700 = arith.index_cast %mul3A_1699 : i32 to index
    %get3A_1701 = tpu.vector_load %arg4[%get3A_1700] {strides = array<i32>} : memref<512xf32, #tpu.memory_space<vmem>>, vector<16xf32>,
    %get3A_1702 = vector.shape_cast %get3A_1701 : vector<16xf32> to vector<16xf32>
    %sign3A_1703 = tpu.bitcast %get3A_1702 : vector<16xf32> -> vector<16xi32>
    %sign3A_1704 = arith.constant -2147483648 : i32
    %sign3A_1705 = vector.broadcast %sign3A_1704 : i32 to vector<16xi32>
    %sign3A_1706 = arith.andi %sign3A_1703, %sign3A_1705 : vector<16xi32>
    %sign3A_1707 = arith.constant 1065353216 : i32
    %sign3A_1708 = vector.broadcast %sign3A_1707 : i32 to vector<16xi32>
    %sign3A_1709 = arith.ori %sign3A_1708, %sign3A_1706 : vector<16xi32>
    %sign3A_1710 = tpu.bitcast %sign3A_1709 : vector<16xi32> -> vector<16xf32>
    %sign3A_1711 = math.absf %get3A_1702 : vector<16xf32>
    %sign3A_1712 = arith.constant 0.000000e+00 : f32
    %sign3A_1713 = vector.broadcast %sign3A_1712 : f32 to vector<16xf32>
    %sign3A_1714 = arith.cmpf ogt, %sign3A_1711, %sign3A_1713 : vector<16xf32>
    %sign3A_1715 = arith.select %sign3A_1714, %sign3A_1710, %get3A_1702 : vector<16xi1>, vector<16xf32>
    %mul3A_1716 = arith.mulf %sign3A_1715, %max3A_986 : vector<16xf32>
    %sub3A_1717 = arith.subf %mul3A_1716, %div3A_993 : vector<16xf32>
    %max3A_1718 = arith.constant 0.000000e+00 : f32
    %max3A_1719 = vector.broadcast %max3A_1718 : f32 to vector<16xf32>
    %max3A_1720 = arith.maximumf %sub3A_1717, %max3A_1719 : vector<16xf32>
    %mul3A_1721 = arith.constant 16 : i32
    %mul3A_1722 = arith.muli %scan3A_1697, %mul3A_1721 : i32
    %swap3A_1723 = arith.index_cast %mul3A_1722 : i32 to index
    %swap3A_1724 = tpu.vector_load %arg5[%swap3A_1723] {strides = array<i32>} : memref<512xf32, #tpu.memory_space<vmem>>, vector<16xf32>,
    %swap3A_1725 = vector.shape_cast %swap3A_1724 : vector<16xf32> to vector<16xf32>
    %swap3A_1726 = vector.shape_cast %max3A_1720 : vector<16xf32> to vector<16xf32>
    tpu.vector_store %arg5[%swap3A_1723], %swap3A_1726 {strides = array<i32>} : memref<512xf32, #tpu.memory_space<vmem>>, vector<16xf32>,
    %scan3A_1727 = arith.constant 24 : i32
    %mul3A_1728 = arith.constant 16 : i32
    %mul3A_1729 = arith.muli %scan3A_1727, %mul3A_1728 : i32
    %get3A_1730 = arith.index_cast %mul3A_1729 : i32 to index
    %get3A_1731 = tpu.vector_load %arg4[%get3A_1730] {strides = array<i32>} : memref<512xf32, #tpu.memory_space<vmem>>, vector<16xf32>,
    %get3A_1732 = vector.shape_cast %get3A_1731 : vector<16xf32> to vector<16xf32>
    %sign3A_1733 = tpu.bitcast %get3A_1732 : vector<16xf32> -> vector<16xi32>
    %sign3A_1734 = arith.constant -2147483648 : i32
    %sign3A_1735 = vector.broadcast %sign3A_1734 : i32 to vector<16xi32>
    %sign3A_1736 = arith.andi %sign3A_1733, %sign3A_1735 : vector<16xi32>
    %sign3A_1737 = arith.constant 1065353216 : i32
    %sign3A_1738 = vector.broadcast %sign3A_1737 : i32 to vector<16xi32>
    %sign3A_1739 = arith.ori %sign3A_1738, %sign3A_1736 : vector<16xi32>
    %sign3A_1740 = tpu.bitcast %sign3A_1739 : vector<16xi32> -> vector<16xf32>
    %sign3A_1741 = math.absf %get3A_1732 : vector<16xf32>
    %sign3A_1742 = arith.constant 0.000000e+00 : f32
    %sign3A_1743 = vector.broadcast %sign3A_1742 : f32 to vector<16xf32>
    %sign3A_1744 = arith.cmpf ogt, %sign3A_1741, %sign3A_1743 : vector<16xf32>
    %sign3A_1745 = arith.select %sign3A_1744, %sign3A_1740, %get3A_1732 : vector<16xi1>, vector<16xf32>
    %mul3A_1746 = arith.mulf %sign3A_1745, %max3A_986 : vector<16xf32>
    %sub3A_1747 = arith.subf %mul3A_1746, %div3A_993 : vector<16xf32>
    %max3A_1748 = arith.constant 0.000000e+00 : f32
    %max3A_1749 = vector.broadcast %max3A_1748 : f32 to vector<16xf32>
    %max3A_1750 = arith.maximumf %sub3A_1747, %max3A_1749 : vector<16xf32>
    %mul3A_1751 = arith.constant 16 : i32
    %mul3A_1752 = arith.muli %scan3A_1727, %mul3A_1751 : i32
    %swap3A_1753 = arith.index_cast %mul3A_1752 : i32 to index
    %swap3A_1754 = tpu.vector_load %arg5[%swap3A_1753] {strides = array<i32>} : memref<512xf32, #tpu.memory_space<vmem>>, vector<16xf32>,
    %swap3A_1755 = vector.shape_cast %swap3A_1754 : vector<16xf32> to vector<16xf32>
    %swap3A_1756 = vector.shape_cast %max3A_1750 : vector<16xf32> to vector<16xf32>
    tpu.vector_store %arg5[%swap3A_1753], %swap3A_1756 {strides = array<i32>} : memref<512xf32, #tpu.memory_space<vmem>>, vector<16xf32>,
    %scan3A_1757 = arith.constant 25 : i32
    %mul3A_1758 = arith.constant 16 : i32
    %mul3A_1759 = arith.muli %scan3A_1757, %mul3A_1758 : i32
    %get3A_1760 = arith.index_cast %mul3A_1759 : i32 to index
    %get3A_1761 = tpu.vector_load %arg4[%get3A_1760] {strides = array<i32>} : memref<512xf32, #tpu.memory_space<vmem>>, vector<16xf32>,
    %get3A_1762 = vector.shape_cast %get3A_1761 : vector<16xf32> to vector<16xf32>
    %sign3A_1763 = tpu.bitcast %get3A_1762 : vector<16xf32> -> vector<16xi32>
    %sign3A_1764 = arith.constant -2147483648 : i32
    %sign3A_1765 = vector.broadcast %sign3A_1764 : i32 to vector<16xi32>
    %sign3A_1766 = arith.andi %sign3A_1763, %sign3A_1765 : vector<16xi32>
    %sign3A_1767 = arith.constant 1065353216 : i32
    %sign3A_1768 = vector.broadcast %sign3A_1767 : i32 to vector<16xi32>
    %sign3A_1769 = arith.ori %sign3A_1768, %sign3A_1766 : vector<16xi32>
    %sign3A_1770 = tpu.bitcast %sign3A_1769 : vector<16xi32> -> vector<16xf32>
    %sign3A_1771 = math.absf %get3A_1762 : vector<16xf32>
    %sign3A_1772 = arith.constant 0.000000e+00 : f32
    %sign3A_1773 = vector.broadcast %sign3A_1772 : f32 to vector<16xf32>
    %sign3A_1774 = arith.cmpf ogt, %sign3A_1771, %sign3A_1773 : vector<16xf32>
    %sign3A_1775 = arith.select %sign3A_1774, %sign3A_1770, %get3A_1762 : vector<16xi1>, vector<16xf32>
    %mul3A_1776 = arith.mulf %sign3A_1775, %max3A_986 : vector<16xf32>
    %sub3A_1777 = arith.subf %mul3A_1776, %div3A_993 : vector<16xf32>
    %max3A_1778 = arith.constant 0.000000e+00 : f32
    %max3A_1779 = vector.broadcast %max3A_1778 : f32 to vector<16xf32>
    %max3A_1780 = arith.maximumf %sub3A_1777, %max3A_1779 : vector<16xf32>
    %mul3A_1781 = arith.constant 16 : i32
    %mul3A_1782 = arith.muli %scan3A_1757, %mul3A_1781 : i32
    %swap3A_1783 = arith.index_cast %mul3A_1782 : i32 to index
    %swap3A_1784 = tpu.vector_load %arg5[%swap3A_1783] {strides = array<i32>} : memref<512xf32, #tpu.memory_space<vmem>>, vector<16xf32>,
    %swap3A_1785 = vector.shape_cast %swap3A_1784 : vector<16xf32> to vector<16xf32>
    %swap3A_1786 = vector.shape_cast %max3A_1780 : vector<16xf32> to vector<16xf32>
    tpu.vector_store %arg5[%swap3A_1783], %swap3A_1786 {strides = array<i32>} : memref<512xf32, #tpu.memory_space<vmem>>, vector<16xf32>,
    %scan3A_1787 = arith.constant 26 : i32
    %mul3A_1788 = arith.constant 16 : i32
    %mul3A_1789 = arith.muli %scan3A_1787, %mul3A_1788 : i32
    %get3A_1790 = arith.index_cast %mul3A_1789 : i32 to index
    %get3A_1791 = tpu.vector_load %arg4[%get3A_1790] {strides = array<i32>} : memref<512xf32, #tpu.memory_space<vmem>>, vector<16xf32>,
    %get3A_1792 = vector.shape_cast %get3A_1791 : vector<16xf32> to vector<16xf32>
    %sign3A_1793 = tpu.bitcast %get3A_1792 : vector<16xf32> -> vector<16xi32>
    %sign3A_1794 = arith.constant -2147483648 : i32
    %sign3A_1795 = vector.broadcast %sign3A_1794 : i32 to vector<16xi32>
    %sign3A_1796 = arith.andi %sign3A_1793, %sign3A_1795 : vector<16xi32>
    %sign3A_1797 = arith.constant 1065353216 : i32
    %sign3A_1798 = vector.broadcast %sign3A_1797 : i32 to vector<16xi32>
    %sign3A_1799 = arith.ori %sign3A_1798, %sign3A_1796 : vector<16xi32>
    %sign3A_1800 = tpu.bitcast %sign3A_1799 : vector<16xi32> -> vector<16xf32>
    %sign3A_1801 = math.absf %get3A_1792 : vector<16xf32>
    %sign3A_1802 = arith.constant 0.000000e+00 : f32
    %sign3A_1803 = vector.broadcast %sign3A_1802 : f32 to vector<16xf32>
    %sign3A_1804 = arith.cmpf ogt, %sign3A_1801, %sign3A_1803 : vector<16xf32>
    %sign3A_1805 = arith.select %sign3A_1804, %sign3A_1800, %get3A_1792 : vector<16xi1>, vector<16xf32>
    %mul3A_1806 = arith.mulf %sign3A_1805, %max3A_986 : vector<16xf32>
    %sub3A_1807 = arith.subf %mul3A_1806, %div3A_993 : vector<16xf32>
    %max3A_1808 = arith.constant 0.000000e+00 : f32
    %max3A_1809 = vector.broadcast %max3A_1808 : f32 to vector<16xf32>
    %max3A_1810 = arith.maximumf %sub3A_1807, %max3A_1809 : vector<16xf32>
    %mul3A_1811 = arith.constant 16 : i32
    %mul3A_1812 = arith.muli %scan3A_1787, %mul3A_1811 : i32
    %swap3A_1813 = arith.index_cast %mul3A_1812 : i32 to index
    %swap3A_1814 = tpu.vector_load %arg5[%swap3A_1813] {strides = array<i32>} : memref<512xf32, #tpu.memory_space<vmem>>, vector<16xf32>,
    %swap3A_1815 = vector.shape_cast %swap3A_1814 : vector<16xf32> to vector<16xf32>
    %swap3A_1816 = vector.shape_cast %max3A_1810 : vector<16xf32> to vector<16xf32>
    tpu.vector_store %arg5[%swap3A_1813], %swap3A_1816 {strides = array<i32>} : memref<512xf32, #tpu.memory_space<vmem>>, vector<16xf32>,
    %scan3A_1817 = arith.constant 27 : i32
    %mul3A_1818 = arith.constant 16 : i32
    %mul3A_1819 = arith.muli %scan3A_1817, %mul3A_1818 : i32
    %get3A_1820 = arith.index_cast %mul3A_1819 : i32 to index
    %get3A_1821 = tpu.vector_load %arg4[%get3A_1820] {strides = array<i32>} : memref<512xf32, #tpu.memory_space<vmem>>, vector<16xf32>,
    %get3A_1822 = vector.shape_cast %get3A_1821 : vector<16xf32> to vector<16xf32>
    %sign3A_1823 = tpu.bitcast %get3A_1822 : vector<16xf32> -> vector<16xi32>
    %sign3A_1824 = arith.constant -2147483648 : i32
    %sign3A_1825 = vector.broadcast %sign3A_1824 : i32 to vector<16xi32>
    %sign3A_1826 = arith.andi %sign3A_1823, %sign3A_1825 : vector<16xi32>
    %sign3A_1827 = arith.constant 1065353216 : i32
    %sign3A_1828 = vector.broadcast %sign3A_1827 : i32 to vector<16xi32>
    %sign3A_1829 = arith.ori %sign3A_1828, %sign3A_1826 : vector<16xi32>
    %sign3A_1830 = tpu.bitcast %sign3A_1829 : vector<16xi32> -> vector<16xf32>
    %sign3A_1831 = math.absf %get3A_1822 : vector<16xf32>
    %sign3A_1832 = arith.constant 0.000000e+00 : f32
    %sign3A_1833 = vector.broadcast %sign3A_1832 : f32 to vector<16xf32>
    %sign3A_1834 = arith.cmpf ogt, %sign3A_1831, %sign3A_1833 : vector<16xf32>
    %sign3A_1835 = arith.select %sign3A_1834, %sign3A_1830, %get3A_1822 : vector<16xi1>, vector<16xf32>
    %mul3A_1836 = arith.mulf %sign3A_1835, %max3A_986 : vector<16xf32>
    %sub3A_1837 = arith.subf %mul3A_1836, %div3A_993 : vector<16xf32>
    %max3A_1838 = arith.constant 0.000000e+00 : f32
    %max3A_1839 = vector.broadcast %max3A_1838 : f32 to vector<16xf32>
    %max3A_1840 = arith.maximumf %sub3A_1837, %max3A_1839 : vector<16xf32>
    %mul3A_1841 = arith.constant 16 : i32
    %mul3A_1842 = arith.muli %scan3A_1817, %mul3A_1841 : i32
    %swap3A_1843 = arith.index_cast %mul3A_1842 : i32 to index
    %swap3A_1844 = tpu.vector_load %arg5[%swap3A_1843] {strides = array<i32>} : memref<512xf32, #tpu.memory_space<vmem>>, vector<16xf32>,
    %swap3A_1845 = vector.shape_cast %swap3A_1844 : vector<16xf32> to vector<16xf32>
    %swap3A_1846 = vector.shape_cast %max3A_1840 : vector<16xf32> to vector<16xf32>
    tpu.vector_store %arg5[%swap3A_1843], %swap3A_1846 {strides = array<i32>} : memref<512xf32, #tpu.memory_space<vmem>>, vector<16xf32>,
    %scan3A_1847 = arith.constant 28 : i32
    %mul3A_1848 = arith.constant 16 : i32
    %mul3A_1849 = arith.muli %scan3A_1847, %mul3A_1848 : i32
    %get3A_1850 = arith.index_cast %mul3A_1849 : i32 to index
    %get3A_1851 = tpu.vector_load %arg4[%get3A_1850] {strides = array<i32>} : memref<512xf32, #tpu.memory_space<vmem>>, vector<16xf32>,
    %get3A_1852 = vector.shape_cast %get3A_1851 : vector<16xf32> to vector<16xf32>
    %sign3A_1853 = tpu.bitcast %get3A_1852 : vector<16xf32> -> vector<16xi32>
    %sign3A_1854 = arith.constant -2147483648 : i32
    %sign3A_1855 = vector.broadcast %sign3A_1854 : i32 to vector<16xi32>
    %sign3A_1856 = arith.andi %sign3A_1853, %sign3A_1855 : vector<16xi32>
    %sign3A_1857 = arith.constant 1065353216 : i32
    %sign3A_1858 = vector.broadcast %sign3A_1857 : i32 to vector<16xi32>
    %sign3A_1859 = arith.ori %sign3A_1858, %sign3A_1856 : vector<16xi32>
    %sign3A_1860 = tpu.bitcast %sign3A_1859 : vector<16xi32> -> vector<16xf32>
    %sign3A_1861 = math.absf %get3A_1852 : vector<16xf32>
    %sign3A_1862 = arith.constant 0.000000e+00 : f32
    %sign3A_1863 = vector.broadcast %sign3A_1862 : f32 to vector<16xf32>
    %sign3A_1864 = arith.cmpf ogt, %sign3A_1861, %sign3A_1863 : vector<16xf32>
    %sign3A_1865 = arith.select %sign3A_1864, %sign3A_1860, %get3A_1852 : vector<16xi1>, vector<16xf32>
    %mul3A_1866 = arith.mulf %sign3A_1865, %max3A_986 : vector<16xf32>
    %sub3A_1867 = arith.subf %mul3A_1866, %div3A_993 : vector<16xf32>
    %max3A_1868 = arith.constant 0.000000e+00 : f32
    %max3A_1869 = vector.broadcast %max3A_1868 : f32 to vector<16xf32>
    %max3A_1870 = arith.maximumf %sub3A_1867, %max3A_1869 : vector<16xf32>
    %mul3A_1871 = arith.constant 16 : i32
    %mul3A_1872 = arith.muli %scan3A_1847, %mul3A_1871 : i32
    %swap3A_1873 = arith.index_cast %mul3A_1872 : i32 to index
    %swap3A_1874 = tpu.vector_load %arg5[%swap3A_1873] {strides = array<i32>} : memref<512xf32, #tpu.memory_space<vmem>>, vector<16xf32>,
    %swap3A_1875 = vector.shape_cast %swap3A_1874 : vector<16xf32> to vector<16xf32>
    %swap3A_1876 = vector.shape_cast %max3A_1870 : vector<16xf32> to vector<16xf32>
    tpu.vector_store %arg5[%swap3A_1873], %swap3A_1876 {strides = array<i32>} : memref<512xf32, #tpu.memory_space<vmem>>, vector<16xf32>,
    %scan3A_1877 = arith.constant 29 : i32
    %mul3A_1878 = arith.constant 16 : i32
    %mul3A_1879 = arith.muli %scan3A_1877, %mul3A_1878 : i32
    %get3A_1880 = arith.index_cast %mul3A_1879 : i32 to index
    %get3A_1881 = tpu.vector_load %arg4[%get3A_1880] {strides = array<i32>} : memref<512xf32, #tpu.memory_space<vmem>>, vector<16xf32>,
    %get3A_1882 = vector.shape_cast %get3A_1881 : vector<16xf32> to vector<16xf32>
    %sign3A_1883 = tpu.bitcast %get3A_1882 : vector<16xf32> -> vector<16xi32>
    %sign3A_1884 = arith.constant -2147483648 : i32
    %sign3A_1885 = vector.broadcast %sign3A_1884 : i32 to vector<16xi32>
    %sign3A_1886 = arith.andi %sign3A_1883, %sign3A_1885 : vector<16xi32>
    %sign3A_1887 = arith.constant 1065353216 : i32
    %sign3A_1888 = vector.broadcast %sign3A_1887 : i32 to vector<16xi32>
    %sign3A_1889 = arith.ori %sign3A_1888, %sign3A_1886 : vector<16xi32>
    %sign3A_1890 = tpu.bitcast %sign3A_1889 : vector<16xi32> -> vector<16xf32>
    %sign3A_1891 = math.absf %get3A_1882 : vector<16xf32>
    %sign3A_1892 = arith.constant 0.000000e+00 : f32
    %sign3A_1893 = vector.broadcast %sign3A_1892 : f32 to vector<16xf32>
    %sign3A_1894 = arith.cmpf ogt, %sign3A_1891, %sign3A_1893 : vector<16xf32>
    %sign3A_1895 = arith.select %sign3A_1894, %sign3A_1890, %get3A_1882 : vector<16xi1>, vector<16xf32>
    %mul3A_1896 = arith.mulf %sign3A_1895, %max3A_986 : vector<16xf32>
    %sub3A_1897 = arith.subf %mul3A_1896, %div3A_993 : vector<16xf32>
    %max3A_1898 = arith.constant 0.000000e+00 : f32
    %max3A_1899 = vector.broadcast %max3A_1898 : f32 to vector<16xf32>
    %max3A_1900 = arith.maximumf %sub3A_1897, %max3A_1899 : vector<16xf32>
    %mul3A_1901 = arith.constant 16 : i32
    %mul3A_1902 = arith.muli %scan3A_1877, %mul3A_1901 : i32
    %swap3A_1903 = arith.index_cast %mul3A_1902 : i32 to index
    %swap3A_1904 = tpu.vector_load %arg5[%swap3A_1903] {strides = array<i32>} : memref<512xf32, #tpu.memory_space<vmem>>, vector<16xf32>,
    %swap3A_1905 = vector.shape_cast %swap3A_1904 : vector<16xf32> to vector<16xf32>
    %swap3A_1906 = vector.shape_cast %max3A_1900 : vector<16xf32> to vector<16xf32>
    tpu.vector_store %arg5[%swap3A_1903], %swap3A_1906 {strides = array<i32>} : memref<512xf32, #tpu.memory_space<vmem>>, vector<16xf32>,
    %scan3A_1907 = arith.constant 30 : i32
    %mul3A_1908 = arith.constant 16 : i32
    %mul3A_1909 = arith.muli %scan3A_1907, %mul3A_1908 : i32
    %get3A_1910 = arith.index_cast %mul3A_1909 : i32 to index
    %get3A_1911 = tpu.vector_load %arg4[%get3A_1910] {strides = array<i32>} : memref<512xf32, #tpu.memory_space<vmem>>, vector<16xf32>,
    %get3A_1912 = vector.shape_cast %get3A_1911 : vector<16xf32> to vector<16xf32>
    %sign3A_1913 = tpu.bitcast %get3A_1912 : vector<16xf32> -> vector<16xi32>
    %sign3A_1914 = arith.constant -2147483648 : i32
    %sign3A_1915 = vector.broadcast %sign3A_1914 : i32 to vector<16xi32>
    %sign3A_1916 = arith.andi %sign3A_1913, %sign3A_1915 : vector<16xi32>
    %sign3A_1917 = arith.constant 1065353216 : i32
    %sign3A_1918 = vector.broadcast %sign3A_1917 : i32 to vector<16xi32>
    %sign3A_1919 = arith.ori %sign3A_1918, %sign3A_1916 : vector<16xi32>
    %sign3A_1920 = tpu.bitcast %sign3A_1919 : vector<16xi32> -> vector<16xf32>
    %sign3A_1921 = math.absf %get3A_1912 : vector<16xf32>
    %sign3A_1922 = arith.constant 0.000000e+00 : f32
    %sign3A_1923 = vector.broadcast %sign3A_1922 : f32 to vector<16xf32>
    %sign3A_1924 = arith.cmpf ogt, %sign3A_1921, %sign3A_1923 : vector<16xf32>
    %sign3A_1925 = arith.select %sign3A_1924, %sign3A_1920, %get3A_1912 : vector<16xi1>, vector<16xf32>
    %mul3A_1926 = arith.mulf %sign3A_1925, %max3A_986 : vector<16xf32>
    %sub3A_1927 = arith.subf %mul3A_1926, %div3A_993 : vector<16xf32>
    %max3A_1928 = arith.constant 0.000000e+00 : f32
    %max3A_1929 = vector.broadcast %max3A_1928 : f32 to vector<16xf32>
    %max3A_1930 = arith.maximumf %sub3A_1927, %max3A_1929 : vector<16xf32>
    %mul3A_1931 = arith.constant 16 : i32
    %mul3A_1932 = arith.muli %scan3A_1907, %mul3A_1931 : i32
    %swap3A_1933 = arith.index_cast %mul3A_1932 : i32 to index
    %swap3A_1934 = tpu.vector_load %arg5[%swap3A_1933] {strides = array<i32>} : memref<512xf32, #tpu.memory_space<vmem>>, vector<16xf32>,
    %swap3A_1935 = vector.shape_cast %swap3A_1934 : vector<16xf32> to vector<16xf32>
    %swap3A_1936 = vector.shape_cast %max3A_1930 : vector<16xf32> to vector<16xf32>
    tpu.vector_store %arg5[%swap3A_1933], %swap3A_1936 {strides = array<i32>} : memref<512xf32, #tpu.memory_space<vmem>>, vector<16xf32>,
    %scan3A_1937 = arith.constant 31 : i32
    %mul3A_1938 = arith.constant 16 : i32
    %mul3A_1939 = arith.muli %scan3A_1937, %mul3A_1938 : i32
    %get3A_1940 = arith.index_cast %mul3A_1939 : i32 to index
    %get3A_1941 = tpu.vector_load %arg4[%get3A_1940] {strides = array<i32>} : memref<512xf32, #tpu.memory_space<vmem>>, vector<16xf32>,
    %get3A_1942 = vector.shape_cast %get3A_1941 : vector<16xf32> to vector<16xf32>
    %sign3A_1943 = tpu.bitcast %get3A_1942 : vector<16xf32> -> vector<16xi32>
    %sign3A_1944 = arith.constant -2147483648 : i32
    %sign3A_1945 = vector.broadcast %sign3A_1944 : i32 to vector<16xi32>
    %sign3A_1946 = arith.andi %sign3A_1943, %sign3A_1945 : vector<16xi32>
    %sign3A_1947 = arith.constant 1065353216 : i32
    %sign3A_1948 = vector.broadcast %sign3A_1947 : i32 to vector<16xi32>
    %sign3A_1949 = arith.ori %sign3A_1948, %sign3A_1946 : vector<16xi32>
    %sign3A_1950 = tpu.bitcast %sign3A_1949 : vector<16xi32> -> vector<16xf32>
    %sign3A_1951 = math.absf %get3A_1942 : vector<16xf32>
    %sign3A_1952 = arith.constant 0.000000e+00 : f32
    %sign3A_1953 = vector.broadcast %sign3A_1952 : f32 to vector<16xf32>
    %sign3A_1954 = arith.cmpf ogt, %sign3A_1951, %sign3A_1953 : vector<16xf32>
    %sign3A_1955 = arith.select %sign3A_1954, %sign3A_1950, %get3A_1942 : vector<16xi1>, vector<16xf32>
    %mul3A_1956 = arith.mulf %sign3A_1955, %max3A_986 : vector<16xf32>
    %sub3A_1957 = arith.subf %mul3A_1956, %div3A_993 : vector<16xf32>
    %max3A_1958 = arith.constant 0.000000e+00 : f32
    %max3A_1959 = vector.broadcast %max3A_1958 : f32 to vector<16xf32>
    %max3A_1960 = arith.maximumf %sub3A_1957, %max3A_1959 : vector<16xf32>
    %mul3A_1961 = arith.constant 16 : i32
    %mul3A_1962 = arith.muli %scan3A_1937, %mul3A_1961 : i32
    %swap3A_1963 = arith.index_cast %mul3A_1962 : i32 to index
    %swap3A_1964 = tpu.vector_load %arg5[%swap3A_1963] {strides = array<i32>} : memref<512xf32, #tpu.memory_space<vmem>>, vector<16xf32>,
    %swap3A_1965 = vector.shape_cast %swap3A_1964 : vector<16xf32> to vector<16xf32>
    %swap3A_1966 = vector.shape_cast %max3A_1960 : vector<16xf32> to vector<16xf32>
    tpu.vector_store %arg5[%swap3A_1963], %swap3A_1966 {strides = array<i32>} : memref<512xf32, #tpu.memory_space<vmem>>, vector<16xf32>,
    %scan3A_1967 = arith.constant 16 : i32
    %mul3A_1968 = arith.constant 512 : i32
    %mul3A_1969 = arith.muli %select_n3A_30, %mul3A_1968 : i32
    %add3A_1970 = arith.constant 256 : i32
    %add3A_1971 = arith.addi %mul3A_1969, %add3A_1970 : i32
    %dma_start3A_1972 = arith.constant 256 : i32
    %dma_start3A_1973 = tpu.memref_slice %arg5[%dma_start3A_1972] : memref<512xf32, #tpu.memory_space<vmem>> -> memref<256xf32, #tpu.memory_space<vmem>>
    %dma_start3A_1974 = tpu.memref_slice %arg3[%add3A, %add3A_1971] : memref<8x2048xf32, #tpu.memory_space<hbm>> -> memref<1x256xf32, #tpu.memory_space<hbm>>
    %dma_start3A_1975 = tpu.memref_squeeze %dma_start3A_1974 : memref<1x256xf32, #tpu.memory_space<hbm>> -> memref<256xf32, #tpu.memory_space<hbm>>
    %dma_start3A_1976 = tpu.memref_slice %arg3[%add3A, %add3A_1971] : memref<8x2048xf32, #tpu.memory_space<hbm>> -> memref<1x256xf32, #tpu.memory_space<hbm>>
    %dma_start3A_1977 = tpu.memref_squeeze %dma_start3A_1976 : memref<1x256xf32, #tpu.memory_space<hbm>> -> memref<256xf32, #tpu.memory_space<hbm>>
    %dma_start3A_1978 = arith.constant 256 : i32
    %dma_start3A_1979 = tpu.memref_slice %arg5[%dma_start3A_1978] : memref<512xf32, #tpu.memory_space<vmem>> -> memref<256xf32, #tpu.memory_space<vmem>>
    tpu.enqueue_dma source(%dma_start3A_1979 : memref<256xf32, #tpu.memory_space<vmem>>) target(%dma_start3A_1977 : memref<256xf32, #tpu.memory_space<hbm>>) target_semaphore(%arg12 : memref<!tpu.dma_semaphore, #tpu.memory_space<semaphore_mem>>)
    %dma_wait3A_1980 = arith.constant 0 : i32
    %dma_wait3A_1981 = tpu.memref_slice %arg5[%dma_wait3A_1980] : memref<512xf32, #tpu.memory_space<vmem>> -> memref<256xf32, #tpu.memory_space<vmem>>
    %dma_wait3A_1982 = tpu.memref_slice %arg3[%add3A, %mul3A_1477] : memref<8x2048xf32, #tpu.memory_space<hbm>> -> memref<1x256xf32, #tpu.memory_space<hbm>>
    %dma_wait3A_1983 = tpu.memref_squeeze %dma_wait3A_1982 : memref<1x256xf32, #tpu.memory_space<hbm>> -> memref<256xf32, #tpu.memory_space<hbm>>
    %dma_wait3A_1984 = tpu.memref_slice %arg3[%add3A, %mul3A_1477] : memref<8x2048xf32, #tpu.memory_space<hbm>> -> memref<1x256xf32, #tpu.memory_space<hbm>>
    %dma_wait3A_1985 = tpu.memref_squeeze %dma_wait3A_1984 : memref<1x256xf32, #tpu.memory_space<hbm>> -> memref<256xf32, #tpu.memory_space<hbm>>
    %dma_wait3A_1986 = arith.constant 0 : i32
    %dma_wait3A_1987 = tpu.memref_slice %arg5[%dma_wait3A_1986] : memref<512xf32, #tpu.memory_space<vmem>> -> memref<256xf32, #tpu.memory_space<vmem>>
    tpu.wait_dma2 semaphore(%arg11 : memref<!tpu.dma_semaphore, #tpu.memory_space<semaphore_mem>>) src(%dma_wait3A_1987 : memref<256xf32, #tpu.memory_space<vmem>>) dst(%dma_wait3A_1985 : memref<256xf32, #tpu.memory_space<hbm>>)
    %dma_wait3A_1988 = arith.constant 256 : i32
    %dma_wait3A_1989 = tpu.memref_slice %arg5[%dma_wait3A_1988] : memref<512xf32, #tpu.memory_space<vmem>> -> memref<256xf32, #tpu.memory_space<vmem>>
    %dma_wait3A_1990 = tpu.memref_slice %arg3[%add3A, %add3A_1971] : memref<8x2048xf32, #tpu.memory_space<hbm>> -> memref<1x256xf32, #tpu.memory_space<hbm>>
    %dma_wait3A_1991 = tpu.memref_squeeze %dma_wait3A_1990 : memref<1x256xf32, #tpu.memory_space<hbm>> -> memref<256xf32, #tpu.memory_space<hbm>>
    %dma_wait3A_1992 = tpu.memref_slice %arg3[%add3A, %add3A_1971] : memref<8x2048xf32, #tpu.memory_space<hbm>> -> memref<1x256xf32, #tpu.memory_space<hbm>>
    %dma_wait3A_1993 = tpu.memref_squeeze %dma_wait3A_1992 : memref<1x256xf32, #tpu.memory_space<hbm>> -> memref<256xf32, #tpu.memory_space<hbm>>
    %dma_wait3A_1994 = arith.constant 256 : i32
    %dma_wait3A_1995 = tpu.memref_slice %arg5[%dma_wait3A_1994] : memref<512xf32, #tpu.memory_space<vmem>> -> memref<256xf32, #tpu.memory_space<vmem>>
    tpu.wait_dma2 semaphore(%arg12 : memref<!tpu.dma_semaphore, #tpu.memory_space<semaphore_mem>>) src(%dma_wait3A_1995 : memref<256xf32, #tpu.memory_space<vmem>>) dst(%dma_wait3A_1993 : memref<256xf32, #tpu.memory_space<hbm>>)
    return
  }
}

</mosaic_0001>

<sc_bundles>
// kernel: kernel.3.cloned.1.call-start
scs
__scs_entry_jumppad:
0x0: {  	(pc) =	sbr.rel $0x88, $3  }
0x1: {  	(tag) =	ssettag $0x0;
	lr =	simm.s32 $0x1  }
0x2: {  	[smem:$0x3FA0] =	sst lr;
	_ =	strace $0xD0000000  }
0x3: {  	_ = 	snop  }
0x4: {  	_ = 	snop  }
0x5: {  	_ = 	snop  }
0x6: {  	_ = 	snop  }
0x7: {  	_ = 	snop  }
__scs_overlays_trampoline_lowered:
0x8: {  	[smem:$0x3FAF] =	sst s0  }
0x9: {  	[smem:$0x3FB0] =	sst s1  }
0xa: {  	[smem:$0x3FB1] =	sst s2  }
0xb: {  	[smem:$0x3FB2] =	sst s3  }
0xc: {  	[smem:$0x3FB3] =	sst s4  }
0xd: {  	[smem:$0x3FB4] =	sst s5  }
0xe: {  	[smem:$0x3FB5] =	sst s6  }
0xf: {  	[smem:$0x3FB6] =	sst s7  }
0x10: {  	[smem:$0x3FB7] =	sst s8  }
0x11: {  	[smem:$0x3FB8] =	sst s9;
	s0 =	simm.s32 @!p0 $0x0  }
0x12: {  	s1 =	sld [smem:$0x3F9E];
	s0 =	simm.s32 @p0 $0x1  }
0x13: {  	[smem:$0x3FB9] =	sst s0;
	s0 =	simm.s32 @!p1 $0x0  }
0x14: {  	s2 =	sld [smem:$0x3F9D];
	s0 =	simm.s32 @p1 $0x1  }
0x15: {  	[smem:$0x3FBA] =	sst s0;
	s0 =	simm.s32 @!p2 $0x0  }
0x16: {  	s3 =	sld [smem:$0x3FDB];
	s0 =	simm.s32 @p2 $0x1  }
0x17: {  	s4 =	simm.s32 $0x1BF5;
	[smem:$0x3FBC] =	sst s0  }
0x18: {  	s0 =	sld [smem:$0x3F9F];
	_ =	swait.ge [sflag:s4], $0x0  }
0x19: {  	s7 =	sld [smem:$0x3FA0]  }
0x1a: {  	s8 =	sadd.s32 $0xFFFFE003, lr  }
0x1b: {  	s9 =	sadd.s32 $0xFFFFFEF7, lr;
	s5 =	simm.s32 $0xFFFFFFFF;
	p2 =	slt.u32 s8, $0xFFFFF086  }
0x1c: {  	p1 =	slt.u32 s9, $0xF7A;
	s5 =	simm.s32 @!p2 $0x0  }
0x1d: {  	s5 =	simm.s32 @p1 $0x1;
	p0 =	seq.s32 s7, s2  }
0x1e: {  	s7 =	smul.u32 @!p0 $0xF7A, s2;
	p2 =	seq.s32 @!p0 s5, $0x0  }
0x1f: {  	s9 =	smul.u32 $0xF7A, s1;
	s8 =	simm.s32 @!p0 $0x1BF5;
	p2 =	por !p2, p0  }
0x20: {  	[sflag:s8] =	ssyncset.s32 @!p0 $0xFFFFF086;
	s6 =	sadd.s32 @!p0 s3, s7;
	s7 =	simm.s32 @!p0 $0x108  }
0x21: {  	s3 =	sadd.s32 s3, s9;
	s6 =	sadd.s32 @!p0 $0x88, s6;
	s7 =	simm.s32 @p2 $0x1082  }
0x22: {  	[simem:s7], [sflag:s8] =	dma.local @!p0 [hbm:s6], $0xF7A  }
0x23: {  	s9 =	sor.u32 $0xD0000000, s2;
	s6 =	simm.s32 $0x108;
	_ =	swait.ge @!p0 [sflag:s8], $0x0  }
0x24: {  	s3 =	sadd.s32 $0x88, s3;
	s6 =	simm.s32 @!p1 $0x1082;
	[sflag:s4] =	ssyncset.s32 $0xFFFFF086  }
0x25: {  	[simem:s6], [sflag:s4] =	dma.local [hbm:s3], $0xF7A  }
0x26: {  	[smem:$0x3FA0] =	sst s1;
	(tag) =	ssettag s2;
	_ =	strace s9  }
0x27: {  	s1 =	sld [smem:$0x3FB0]  }
0x28: {  	s2 =	sld [smem:$0x3FB1]  }
0x29: {  	s4 =	sld [smem:$0x3FB3]  }
0x2a: {  	p0 =	seq.s32 s5, $0x0;
	s5 =	sld [smem:$0x3FB4]  }
0x2b: {  	s6 =	sld [smem:$0x3FB5]  }
0x2c: {  	s7 =	sld [smem:$0x3FB6]  }
0x2d: {  	s3 =	simm.s32 $0x108;
	s8 =	sld [smem:$0x3FB7]  }
0x2e: {  	s3 =	simm.s32 @!p0 $0x1082;
	s9 =	sld [smem:$0x3FB8]  }
0x2f: {  	lr =	sadd.s32 s0, s3;
	s0 =	sld [smem:$0x3FAF]  }
0x30: {  	s3 =	sld [smem:$0x3FB2]  }
0x31: {  	[smem:$0x3FBB] =	sst s10  }
0x32: {  	s10 =	sld [smem:$0x3FB9];
	_ =	sdelay $0x3  }
0x33: {  	p0 =	seq.s32 s10, $0x1;
	s10 =	sld [smem:$0x3FBB];
	_ =	sdelay $0x3  }
0x34: {  	[smem:$0x3FBB] =	sst s10  }
0x35: {  	s10 =	sld [smem:$0x3FBA];
	_ =	sdelay $0x3  }
0x36: {  	p1 =	seq.s32 s10, $0x1;
	s10 =	sld [smem:$0x3FBB];
	_ =	sdelay $0x3  }
0x37: {  	[smem:$0x3FBB] =	sst s10  }
0x38: {  	s10 =	sld [smem:$0x3FBC]  }
0x39: {  	_ = 	snop;
	(pc) =	sbr.ind lr, $3  }
0x3a: {  	_ = 	snop  }
0x3b: {  	_ = 	snop  }
0x3c: {  	p2 =	seq.s32 s10, $0x1;
	s10 =	sld [smem:$0x3FBB]  }
0x3d: {  	_ =	shalt  }
0x3e: {  	_ =	shalt  }
0x3f: {  	_ =	shalt  }
0x40: {  	_ =	shalt  }
0x41: {  	_ =	shalt  }
0x42: {  	_ =	shalt  }
0x43: {  	_ =	shalt  }
0x44: {  	_ =	shalt  }
0x45: {  	_ =	shalt  }
0x46: {  	_ =	shalt  }
0x47: {  	_ =	shalt  }
0x48: {  	_ =	shalt  }
0x49: {  	_ =	shalt  }
0x4a: {  	_ =	shalt  }
0x4b: {  	_ =	shalt  }
0x4c: {  	_ =	shalt  }
0x4d: {  	_ =	shalt  }
0x4e: {  	_ =	shalt  }
0x4f: {  	_ =	shalt  }
0x50: {  	_ =	shalt  }
0x51: {  	_ =	shalt  }
0x52: {  	_ =	shalt  }
0x53: {  	_ =	shalt  }
0x54: {  	_ =	shalt  }
0x55: {  	_ =	shalt  }
0x56: {  	_ =	shalt  }
0x57: {  	_ =	shalt  }
0x58: {  	_ =	shalt  }
0x59: {  	_ =	shalt  }
0x5a: {  	_ =	shalt  }
0x5b: {  	_ =	shalt  }
0x5c: {  	_ =	shalt  }
0x5d: {  	_ =	shalt  }
0x5e: {  	_ =	shalt  }
0x5f: {  	_ =	shalt  }
0x60: {  	_ =	shalt  }
0x61: {  	_ =	shalt  }
0x62: {  	_ =	shalt  }
0x63: {  	_ =	shalt  }
0x64: {  	_ =	shalt  }
0x65: {  	_ =	shalt  }
0x66: {  	_ =	shalt  }
0x67: {  	_ =	shalt  }
0x68: {  	_ =	shalt  }
0x69: {  	_ =	shalt  }
0x6a: {  	_ =	shalt  }
0x6b: {  	_ =	shalt  }
0x6c: {  	_ =	shalt  }
0x6d: {  	_ =	shalt  }
0x6e: {  	_ =	shalt  }
0x6f: {  	_ =	shalt  }
0x70: {  	_ =	shalt  }
0x71: {  	_ =	shalt  }
0x72: {  	_ =	shalt  }
0x73: {  	_ =	shalt  }
0x74: {  	_ =	shalt  }
0x75: {  	_ =	shalt  }
0x76: {  	_ =	shalt  }
0x77: {  	_ =	shalt  }
0x78: {  	_ =	shalt  }
0x79: {  	_ =	shalt  }
0x7a: {  	_ =	shalt  }
0x7b: {  	_ =	shalt  }
0x7c: {  	_ =	shalt  }
0x7d: {  	_ =	shalt  }
0x7e: {  	_ =	shalt  }
0x7f: {  	_ =	shalt  }
0x80: {  	_ =	shalt  }
0x81: {  	_ =	shalt  }
0x82: {  	_ =	shalt  }
0x83: {  	_ =	shalt  }
0x84: {  	_ =	shalt  }
0x85: {  	_ =	shalt  }
0x86: {  	_ =	shalt  }
0x87: {  	_ =	shalt  }
.Lfunc_end0:
.L_simem_size_0:
called_computation_lowered:
.L_overlay_start_0:
0x88: {  	s2 =	sld [smem:$0x3FD9]  }
0x89: {  	s3 =	sld [smem:$0x3FFE];
	_ =	sdelay $0x1  }
0x8a: {  	s1 =	srdreg.scid  }
0x8b: {  	s0 =	sand.u32 $0x1, s1  }
0x8c: {  	s18 =	sshll.u32 s0, $0xA;
	s2 =	sadd.s32 s3, s2  }
0x8d: {  	s2 =	sadd.s32 s2, s18  }
0x8e: {  	[smem:$0x3FC7] =	sst s2  }
0x8f: {  	_ = 	snop  }
0x90: {  	s2 =	sld [smem:$0x3FC9]  }
0x91: {  	s19 =	sld [smem:$0x3FD0];
	(tm) =	ssettm $0x1  }
0x92: {  	s4 =	sld [smem:$0x3FFB];
	_ =	sdelay $0x3  }
0x93: {  	_ =	strace s4  }
0x94: {  	s4 =	sld [smem:$0x3FFC];
	_ =	sdelay $0x3  }
0x95: {  	_ =	strace s4  }
0x96: {  	s4 =	sld [smem:$0x3FFD];
	_ =	sdelay $0x3  }
0x97: {  	_ =	strace s4  }
0x98: {  	_ =	strace $0x8FFFFFFF  }
0x99: {  	s20 =	sld [smem:$0x3FDB];
	_ =	sdelay $0x1  }
0x9a: {  	s5 =	simm.s32 $_scs_section_size  }
0x9b: {  	s6 =	simm.s32 $_size__tile_overlayer_lowered;
	s7 =	simm.s32 $_tile_overlayer_lowered  }
0x9c: {  	s23 =	simm.s32 $0x1BFF;
	s22 =	sshll.u32 s7, $0x1;
	s4 =	sadd.s32 s5, s20  }
0x9d: {  	s8 =	simm.s32 $0x0;
	s21 =	sshll.u32 s6, $0x1;
	s6 =	sadd.s32 s22, s4  }
0x9e: {  	[timem:s8], [sflag:s23] =	dma.local [hbm:s6], s21  }
0x9f: {  	_ =	swait.ge [sflag:s23], s21  }
0xa0: {  	s5 =	ssub.s32 $0x0, s21;
	[sflag:s23] =	ssyncset.done $0x0  }
0xa1: {  	[sflag:s23] =	ssyncadd.s32 s5;
	_ =	sdelay $0x1  }
0xa2: {  	s24 =	simm.s32 $0x1B8B  }
0xa3: {  	_ =	swait.ge [sflag:s24], $0x1  }
0xa4: {  	[sflag:s24] =	ssyncset.done $0x0  }
0xa5: {  	s25 =	simm.s32 $0x1B8E;
	[sflag:s24] =	ssyncadd.s32 $0xFFFFFFFF  }
0xa6: {  	s26 =	simm.s32 $execute0_lowered;
	[smem:$0x3FD2] =	sst s25  }
0xa7: {  	s5 =	sshll.u32 s26, $0x1;
	_ =	strace $0x80000046;
	[dreg:$0x1] =	wrdreg $0xFFFFFFFF  }
0xa8: {  	s28 =	simm.s32 $_size_execute0_lowered;
	s4 =	sadd.s32 s4, s5;
	[dreg:$0x0] =	wrdreg $0x0  }
0xa9: {  	s5 =	sshll.u32 s28, $0x1;
	[dreg:$0x2] =	wrdreg s4  }
0xaa: {  	[dreg:$0x3] =	wrdreg s5  }
0xab: {  	[dreg:$0x4] =	wrdreg $0xC0  }
0xac: {  	_ =	task [dreg:s8], $0x5FFFF  }
0xad: {  	[dreg:$0x1] =	wrdreg $0xFFFFFFFF  }
0xae: {  	[dreg:$0x0] =	wrdreg $0x60  }
0xaf: {  	[dreg:$0x2] =	wrdreg s2  }
0xb0: {  	[dreg:$0x3] =	wrdreg s19  }
0xb1: {  	[dreg:$0x4] =	wrdreg $0x9000  }
0xb2: {  	[dreg:$0x5] =	wrdreg $0x9  }
0xb3: {  	_ =	task.clear_ibuf [dreg:s8], $0x6FFFF;
	_ =	strace $0x90000046  }
0xb4: {  	s29 =	simm.s32 $0x9;
	_ =	strace $0x80000048  }
0xb5: {  	_ =	swait.ge [sflag:s29], $0x1  }
0xb6: {  	[sflag:s29] =	ssyncadd.s32 $0xFFFFFFFF  }
0xb7: {  	_ =	strace $0x90000048  }
0xb8: {  	_ =	sfence  }
0xb9: {  	s30 =	sld [smem:$0x0];
	_ =	sdelay $0x2  }
0xba: {  	s31 =	sshll.u32 s1, $0xD;
	s1 =	sshrl.u32 s1, $0x2  }
0xbb: {  	s3 =	sand.u32 $0x4000, s31;
	s1 =	sadd.s32 s1, s30  }
0xbc: {  	s0 =	sor.u32 s3, s0;
	s1 =	sshll.u32 s1, $0x11  }
0xbd: {  	s0 =	sor.u32 s1, s0  }
0xbe: {  	s0 =	sadd.s32 $0x8F2B, s0  }
0xbf: {  	[sflag:s0] =	ssyncadd.remote.s32 $0x1  }
0xc0: {  	_ =	sfence.sel $0xFFFF  }
0xc1: {  	[dreg:$0x0] =	wrdreg $0xFFFFFFFF;
	(pc) =	sbr.abs _section_cstart, $3  }
0xc2: {  	[dreg:$0x1] =	wrdreg $0xFFFFFFFF  }
0xc3: {  	_ =	task.clear_ibuf [dreg:s8], $0x2FFFF;
	_ =	strace $0x9FFFFFFF  }
0xc4: {  	(tm) =	ssettm $0x7FFFFFFF  }
0xc5: {  	_ =	shalt  }
tec
execute0_lowered:
.L_overlay_start_1:
0x0: {  	(tag) =	ssettag $0x1  }
0x1: {  	s4 =	rddreg [dreg:$0x0]  }
0x2: {  	s8 =	rddreg [dreg:$0x1]  }
0x3: {  	s6 =	rddreg [dreg:$0x2]  }
0x4: {  	s0 =	rddreg [dreg:$0x3];
	s1 =	simm.s32 $0x0;
	s3 =	srdreg.scid;
	v1 =	vimm.s32 $0xFEDCBA98;
	v2 =	vimm.s32 $0xBA98FEDC;
	v3 =	vimm.s32 $0x32107654  }
0x5: {  	v0 =	vimm.f32 $2.048000000e+03;
	s2 =	stileid.u32;
	v4 =	vimm.s32 $0xDCFE98BA;
	v5 =	vimm.s32 $0x54761032;
	[smem:$0x7FF] =	sst s1  }
0x6: {  	v6 =	vimm.s32 $0xEFCDAB89;
	v7 =	vimm.s32 $0x67452301;
	s12 =	simm.s32 $0x100;
	s13 =	simm.s32 $0x1;
	_ =	strace $0x80000047  }
0x7: {  	s14 =	simm.s32 $0x2;
	s15 =	simm.s32 $0x5;
	s16 =	simm.s32 $0x500;
	v1 =	vunpack.c.l.s4.s8 v1;
	v2 =	vunpack.c.l.s4.s8 v2;
	(erf) = vrcp.f32 v0  }
0x8: {  	s17 =	simm.s32 $0x200;
	s18 =	simm.s32 $0x300;
	s19 =	simm.s32 $0x3;
	v3 =	vunpack.c.l.s4.s8 v3;
	v4 =	vunpack.c.l.s4.s8 v4;
	v5 =	vunpack.c.l.s4.s8 v5  }
0x9: {  	s20 =	simm.s32 $0x4;
	s3 =	sand.u32 $0x1, s3;
	s7 =	sshrl.u32 s2, $0x2;
	v6 =	vunpack.c.l.s4.s8 v6;
	v7 =	vunpack.c.l.s4.s8 v7;
	v0 =	vimm.s32 $0x76543210  }
0xa: {  	s9 =	sshll.u32 s2, $0x9;
	s31 =	sshll.u32 s2, $0x8;
	s5 =	ssub.s32 $0x2, s3;
	v2 =	vunpack.c.0.s8.s32 v2;
	v3 =	vunpack.c.0.s8.s32 v3;
	v0 =	vunpack.c.l.s4.s8 v0  }
0xb: {  	s3 =	sshll.u32 s3, $0x6;
	s10 =	sshll.u32 s7, $0x4;
	s9 =	sand.u32 $0x600, s9;
	v4 =	vunpack.c.0.s8.s32 v4;
	v5 =	vunpack.c.0.s8.s32 v5;
	v6 =	vunpack.c.0.s8.s32 v6  }
0xc: {  	s7 =	sshll.u32 s7, $0xA;
	s11 =	sshrl.u32 s5, $0x1;
	s3 =	sor.u32 s3, s10;
	v7 =	vunpack.c.0.s8.s32 v7;
	v3 =	vcombine.low v3, v2;
	v2 =	vunpack.c.0.s8.s32 v0  }
0xd: {  	v1 =	vunpack.c.0.s8.s32 v1;
	s10 =	simm.s32 $0x80;
	s29 =	ssub.s32 s5, s11;
	s9 =	sor.u32 s9, s3  }
0xe: {  	s5 =	sadd.s32 s31, s6;
	s6 =	sadd.s32 s7, s6;
	s11 =	simm.s32 $0x400;
	v4 =	vcombine.low v5, v4;
	v5 =	vcombine.low v7, v6;
	v0 =	vimm.f32 $1.000000000e+00  }
0xf: {  	s3 =	sadd.s32 s4, s9;
	s30 =	sor.u32 $0x100, s9;
	s7 =	sadd.s32 s8, s9;
	v1 =	vand.u32 $0xF, v1;
	v0 =	vand.u32 $0x7FFFFFFF, v0;
	v3 =	vand.u32 $0xF, v3  }
0x10: {  	s9 =	smax.u32 s29, $0x1;
	s4 =	sadd.s32 s4, s30;
	s8 =	sadd.s32 s8, s30;
	v4 =	vand.u32 $0xF, v4;
	v5 =	vand.u32 $0xF, v5;
	v1 =	vcombine.low v1, v2;
	v2 =	vpop (erf)  }
.LBB2_1:
0x11: {  	[tilespmem:s1], [sflag:$0x1] =	stream.strided.gather [hbm4b:s3+s10], $0x100, s11, s10, $0x38;
	[tilespmem:$0x920] =	vst v63  }
0x12: {  	_ = 	snop  }
0x13: {  	[tilespmem:s12], [sflag:$0x2] =	stream.strided.gather [hbm4b:s4+s10], $0x100, s11, s10, $0x38;
	[tilespmem:$0x920] =	vst v63  }
0x14: {  	_ =	swait.ge [sflag:s13], $0x100  }
0x15: {  	[sflag:s13] =	ssyncset.done $0x0  }
0x16: {  	[sflag:s13] =	ssyncadd.s32 $0xFFFFFF00  }
0x17: {  	v6 =	vld [tilespmem:$0x0]  }
0x18: {  	v7 =	vld [tilespmem:$0x10]  }
0x19: {  	v10 =	vld [tilespmem:$0x20]  }
0x1a: {  	v12 =	vld [tilespmem:$0x30]  }
0x1b: {  	v25 =	vld [tilespmem:$0x40]  }
0x1c: {  	v28 =	vld [tilespmem:$0x50];
	v8 =	vand.u32 $0x7FFFFFFF, v6  }
0x1d: {  	v32 =	vld [tilespmem:$0x60];
	v9 =	vand.u32 $0x80000000, v6;
	vm0 =	vlt.f32 v6, $0.0e+00;
	vm1 =	vgt.f32 v6, $0.0e+00  }
0x1e: {  	v36 =	vld [tilespmem:$0x70];
	v6 =	vadd.f32 $0.0e+00, v6;
	v11 =	vand.u32 $0x80000000, v7;
	vm2 =	vlt.f32 v7, $0.0e+00  }
0x1f: {  	v39 =	vld [tilespmem:$0x80];
	vm3 =	vgt.f32 v7, $0.0e+00;
	v23 =	vand.u32 $0x7FFFFFFF, v7;
	v24 =	vand.u32 $0x80000000, v10  }
0x20: {  	v43 =	vld [tilespmem:$0x90];
	vm6 =	vlt.f32 v10, $0.0e+00;
	vm7 =	vgt.f32 v10, $0.0e+00;
	v27 =	vand.u32 $0x80000000, v12  }
0x21: {  	v47 =	vld [tilespmem:$0xA0];
	vm8 =	vlt.f32 v12, $0.0e+00;
	vm9 =	vgt.f32 v12, $0.0e+00;
	v29 =	vand.u32 $0x7FFFFFFF, v12  }
0x22: {  	v50 =	vld [tilespmem:$0xB0];
	v30 =	vand.u32 $0x80000000, v25;
	vm11 =	vlt.f32 v25, $0.0e+00;
	vm12 =	vgt.f32 v25, $0.0e+00  }
0x23: {  	v54 =	vld [tilespmem:$0xC0];
	v33 =	vand.u32 $0x7FFFFFFF, v25;
	v34 =	vand.u32 $0x7FFFFFFF, v28;
	v35 =	vand.u32 $0x80000000, v28  }
0x24: {  	v58 =	vld [tilespmem:$0xD0];
	vm13 =	vlt.f32 v28, $0.0e+00;
	vm14 =	vgt.f32 v28, $0.0e+00;
	v38 =	vand.u32 $0x80000000, v32  }
0x25: {  	v61 =	vld [tilespmem:$0xE0];
	vm15 =	vlt.f32 v32, $0.0e+00;
	vm4 =	vgt.f32 v32, $0.0e+00;
	v40 =	vand.u32 $0x7FFFFFFF, v32  }
0x26: {  	v13 =	vld [tilespmem:$0xF0];
	v41 =	vand.u32 $0x80000000, v36;
	v44 =	vand.u32 $0x7FFFFFFF, v36;
	v45 =	vand.u32 $0x7FFFFFFF, v39  }
0x27: {  	v46 =	vand.u32 $0x80000000, v39;
	v49 =	vand.u32 $0x80000000, v43;
	v51 =	vand.u32 $0x7FFFFFFF, v43  }
0x28: {  	v52 =	vand.u32 $0x80000000, v47;
	v55 =	vand.u32 $0x7FFFFFFF, v47;
	v56 =	vand.u32 $0x7FFFFFFF, v50  }
0x29: {  	v57 =	vand.u32 $0x80000000, v50;
	v60 =	vand.u32 $0x80000000, v54;
	v62 =	vand.u32 $0x7FFFFFFF, v54  }
0x2a: {  	v63 =	vand.u32 $0x80000000, v58;
	v16 =	vand.u32 $0x7FFFFFFF, v58;
	v17 =	vand.u32 $0x7FFFFFFF, v61  }
0x2b: {  	v18 =	vand.u32 $0x80000000, v61;
	v21 =	vand.u32 $0x80000000, v13;
	v8 =	vmax.f32 v8, $0.0e+00  }
0x2c: {  	v9 =	vor.u32 v9, v0;
	vm0 =	vmor vm1, vm0;
	v11 =	vor.u32 v11, v0  }
0x2d: {  	vm5 =	vmor vm3, vm2;
	v26 =	vor.u32 v24, v0;
	vm10 =	vmor vm9, vm8  }
0x2e: {  	_ =	swait.ge [sflag:s14], $0x100;
	v31 =	vor.u32 v30, v0;
	v37 =	vor.u32 v35, v0;
	v42 =	vor.u32 v41, v0  }
0x2f: {  	[sflag:s14] =	ssyncset.done $0x0;
	vm8 =	vlt.f32 v39, $0.0e+00;
	vm9 =	vgt.f32 v39, $0.0e+00;
	v48 =	vor.u32 v46, v0  }
0x30: {  	[sflag:s14] =	ssyncadd.s32 $0xFFFFFF00;
	v53 =	vor.u32 v52, v0;
	v59 =	vor.u32 v57, v0;
	v15 =	vor.u32 v63, v0  }
0x31: {  	v19 =	vld [tilespmem:$0x100];
	v20 =	vor.u32 v18, v0;
	v6 =	vsel vm0, v9, v6;
	v7 =	vsel vm5, v11, v7  }
0x32: {  	v22 =	vld [tilespmem:$0x110];
	v8 =	vmax.f32 v8, v23;
	vm0 =	vmor vm7, vm6;
	v9 =	vor.u32 v27, v0  }
0x33: {  	v30 =	vld [tilespmem:$0x130];
	vm5 =	vmor vm4, vm15;
	vm6 =	vlt.f32 v36, $0.0e+00;
	vm7 =	vgt.f32 v36, $0.0e+00  }
0x34: {  	v41 =	vld [tilespmem:$0x160];
	vm15 =	vlt.f32 v50, $0.0e+00;
	vm4 =	vgt.f32 v50, $0.0e+00;
	v23 =	vand.u32 $0x7FFFFFFF, v13  }
0x35: {  	v52 =	vld [tilespmem:$0x190];
	v6 =	vadd.f32 v7, v6;
	v7 =	vand.u32 $0x7FFFFFFF, v10;
	v9 =	vsel vm10, v9, v12  }
0x36: {  	v63 =	vld [tilespmem:$0x1C0];
	vm10 =	vlt.f32 v43, $0.0e+00;
	v24 =	vand.u32 $0x80000000, v19;
	v27 =	vand.u32 $0x7FFFFFFF, v19  }
0x37: {  	v7 =	vmax.f32 v8, v7;
	v8 =	vsel vm0, v26, v10;
	vm0 =	vmor vm12, vm11  }
0x38: {  	vm11 =	vgt.f32 v43, $0.0e+00;
	v6 =	vadd.f32 v8, v6;
	v7 =	vmax.f32 v7, v29  }
0x39: {  	vm12 =	vmor vm11, vm10;
	vm10 =	vlt.f32 v61, $0.0e+00;
	vm11 =	vgt.f32 v61, $0.0e+00  }
0x3a: {  	v29 =	vand.u32 $0x80000000, v22;
	v7 =	vmax.f32 v7, v33;
	v35 =	vand.u32 $0x80000000, v30  }
0x3b: {  	v46 =	vand.u32 $0x80000000, v41;
	v57 =	vand.u32 $0x80000000, v52;
	v18 =	vand.u32 $0x80000000, v63  }
0x3c: {  	v26 =	vld [tilespmem:$0x120];
	v6 =	vadd.f32 v9, v6;
	v9 =	vsel vm0, v31, v25;
	v7 =	vmax.f32 v7, v34  }
0x3d: {  	vm0 =	vmor vm14, vm13;
	vm13 =	vlt.f32 v47, $0.0e+00;
	vm14 =	vgt.f32 v47, $0.0e+00  }
0x3e: {  	v25 =	vor.u32 v24, v0;
	v31 =	vor.u32 v29, v0;
	v8 =	vsel vm0, v37, v28  }
0x3f: {  	vm0 =	vmor vm7, vm6;
	v7 =	vmax.f32 v7, v40;
	vm6 =	vgt.f32 v54, $0.0e+00  }
0x40: {  	v33 =	vld [tilespmem:$0x140];
	v28 =	vand.u32 $0x7FFFFFFF, v22;
	v6 =	vadd.f32 v9, v6;
	v9 =	vor.u32 v38, v0  }
0x41: {  	v7 =	vmax.f32 v7, v44;
	v34 =	vand.u32 $0x7FFFFFFF, v26;
	v38 =	vand.u32 $0x7FFFFFFF, v30  }
0x42: {  	v9 =	vsel vm5, v9, v32;
	v7 =	vmax.f32 v7, v45;
	vm5 =	vlt.f32 v54, $0.0e+00  }
0x43: {  	v37 =	vld [tilespmem:$0x150];
	v32 =	vand.u32 $0x80000000, v26;
	v6 =	vadd.f32 v8, v6;
	v7 =	vmax.f32 v7, v51  }
0x44: {  	vm7 =	vmor vm6, vm5;
	vm5 =	vlt.f32 v22, $0.0e+00;
	vm6 =	vgt.f32 v22, $0.0e+00  }
0x45: {  	v44 =	vld [tilespmem:$0x170];
	v40 =	vand.u32 $0x80000000, v33;
	v7 =	vmax.f32 v7, v55;
	v6 =	vadd.f32 v9, v6  }
0x46: {  	v9 =	vsel vm0, v42, v36;
	vm0 =	vmor vm9, vm8;
	v7 =	vmax.f32 v7, v56  }
0x47: {  	vm8 =	vlt.f32 v58, $0.0e+00;
	vm9 =	vgt.f32 v58, $0.0e+00;
	v36 =	vor.u32 v35, v0  }
0x48: {  	v42 =	vor.u32 v40, v0;
	v45 =	vand.u32 $0x7FFFFFFF, v37;
	v8 =	vsel vm0, v48, v39  }
0x49: {  	v55 =	vld [tilespmem:$0x1A0];
	vm0 =	vmor vm14, vm13;
	v7 =	vmax.f32 v7, v62;
	vm13 =	vgt.f32 v13, $0.0e+00  }
0x4a: {  	v39 =	vand.u32 $0x7FFFFFFF, v33;
	v51 =	vand.u32 $0x80000000, v44;
	v6 =	vadd.f32 v9, v6  }
0x4b: {  	v9 =	vor.u32 v49, v0;
	v7 =	vmax.f32 v7, v16;
	v49 =	vand.u32 $0x7FFFFFFF, v41  }
0x4c: {  	v9 =	vsel vm12, v9, v43;
	v7 =	vmax.f32 v7, v17;
	vm12 =	vlt.f32 v13, $0.0e+00  }
0x4d: {  	v24 =	vld [tilespmem:$0x1F0];
	v43 =	vand.u32 $0x80000000, v37;
	v6 =	vadd.f32 v8, v6;
	vm14 =	vmor vm13, vm12  }
0x4e: {  	v48 =	vld [tilespmem:$0x180];
	v7 =	vmax.f32 v7, v23;
	vm12 =	vlt.f32 v33, $0.0e+00;
	v62 =	vand.u32 $0x80000000, v55  }
0x4f: {  	vm13 =	vgt.f32 v33, $0.0e+00;
	v7 =	vmax.f32 v7, v27;
	v14 =	vor.u32 v62, v0  }
0x50: {  	v6 =	vadd.f32 v9, v6;
	v9 =	vsel vm0, v53, v47;
	vm0 =	vmor vm4, vm15  }
0x51: {  	v16 =	vld [tilespmem:$0x1D0];
	vm15 =	vlt.f32 v19, $0.0e+00;
	vm4 =	vgt.f32 v19, $0.0e+00;
	v7 =	vmax.f32 v7, v28  }
0x52: {  	v47 =	vor.u32 v46, v0;
	v53 =	vor.u32 v51, v0;
	v6 =	vadd.f32 v9, v6  }
0x53: {  	v56 =	vand.u32 $0x7FFFFFFF, v48;
	v28 =	vand.u32 $0x80000000, v24;
	v8 =	vsel vm0, v59, v50  }
0x54: {  	vm0 =	vmor vm9, vm8;
	v9 =	vor.u32 v60, v0;
	v6 =	vadd.f32 v8, v6  }
0x55: {  	vm8 =	vgt.f32 v26, $0.0e+00;
	v7 =	vmax.f32 v7, v34;
	v9 =	vsel vm7, v9, v54  }
0x56: {  	v50 =	vand.u32 $0x7FFFFFFF, v44;
	v23 =	vand.u32 $0x80000000, v16;
	v6 =	vadd.f32 v9, v6  }
0x57: {  	v29 =	vor.u32 v28, v0;
	v7 =	vmax.f32 v7, v38;
	v9 =	vsel vm0, v15, v58  }
0x58: {  	v60 =	vand.u32 $0x7FFFFFFF, v52;
	vm0 =	vmor vm11, vm10;
	v6 =	vadd.f32 v9, v6  }
0x59: {  	vm7 =	vlt.f32 v26, $0.0e+00;
	v7 =	vmax.f32 v7, v39;
	v8 =	vsel vm0, v20, v61  }
0x5a: {  	v54 =	vand.u32 $0x80000000, v48;
	v9 =	vor.u32 v21, v0;
	v6 =	vadd.f32 v8, v6  }
0x5b: {  	vm9 =	vmor vm8, vm7;
	v7 =	vmax.f32 v7, v45;
	v9 =	vsel vm14, v9, v13  }
0x5c: {  	v59 =	vld [tilespmem:$0x1B0];
	vm7 =	vlt.f32 v44, $0.0e+00;
	vm0 =	vmor vm4, vm15;
	v6 =	vadd.f32 v9, v6  }
0x5d: {  	vm8 =	vgt.f32 v44, $0.0e+00;
	v7 =	vmax.f32 v7, v49;
	v9 =	vsel vm0, v25, v19  }
0x5e: {  	vm10 =	vlt.f32 v30, $0.0e+00;
	vm0 =	vmor vm6, vm5;
	v6 =	vadd.f32 v9, v6  }
0x5f: {  	vm11 =	vgt.f32 v30, $0.0e+00;
	v7 =	vmax.f32 v7, v50;
	v8 =	vsel vm0, v31, v22  }
0x60: {  	v58 =	vor.u32 v57, v0;
	v9 =	vor.u32 v32, v0;
	v6 =	vadd.f32 v8, v6  }
0x61: {  	v15 =	vand.u32 $0x80000000, v59;
	v17 =	vand.u32 $0x7FFFFFFF, v59;
	v9 =	vsel vm9, v9, v26  }
0x62: {  	vm15 =	vgt.f32 v37, $0.0e+00;
	vm0 =	vmor vm11, vm10;
	v6 =	vadd.f32 v9, v6  }
0x63: {  	v7 =	vmax.f32 v7, v56;
	v61 =	vand.u32 $0x7FFFFFFF, v55;
	v9 =	vsel vm0, v36, v30  }
0x64: {  	v7 =	vmax.f32 v7, v60;
	vm0 =	vmor vm13, vm12;
	v6 =	vadd.f32 v9, v6  }
0x65: {  	v21 =	vand.u32 $0x7FFFFFFF, v63;
	vm14 =	vlt.f32 v37, $0.0e+00;
	v8 =	vsel vm0, v42, v33  }
0x66: {  	vm4 =	vmor vm15, vm14;
	v9 =	vor.u32 v43, v0;
	v6 =	vadd.f32 v8, v6  }
0x67: {  	vm5 =	vlt.f32 v41, $0.0e+00;
	vm6 =	vgt.f32 v41, $0.0e+00;
	v9 =	vsel vm4, v9, v37  }
0x68: {  	v7 =	vmax.f32 v7, v61;
	vm0 =	vmor vm6, vm5;
	v6 =	vadd.f32 v9, v6  }
0x69: {  	vm14 =	vlt.f32 v55, $0.0e+00;
	vm15 =	vgt.f32 v55, $0.0e+00;
	v9 =	vsel vm0, v47, v41  }
0x6a: {  	v7 =	vmax.f32 v7, v17;
	vm0 =	vmor vm8, vm7;
	v6 =	vadd.f32 v9, v6  }
0x6b: {  	v20 =	vld [tilespmem:$0x1E0];
	vm10 =	vgt.f32 v48, $0.0e+00;
	vm9 =	vlt.f32 v48, $0.0e+00;
	v8 =	vsel vm0, v53, v44  }
0x6c: {  	vm11 =	vmor vm10, vm9;
	v9 =	vor.u32 v54, v0;
	v6 =	vadd.f32 v8, v6  }
0x6d: {  	vm12 =	vlt.f32 v52, $0.0e+00;
	vm13 =	vgt.f32 v52, $0.0e+00;
	v9 =	vsel vm11, v9, v48  }
0x6e: {  	v7 =	vmax.f32 v7, v21;
	vm0 =	vmor vm13, vm12;
	v6 =	vadd.f32 v9, v6  }
0x6f: {  	v19 =	vor.u32 v18, v0;
	v25 =	vor.u32 v23, v0;
	v9 =	vsel vm0, v58, v52  }
0x70: {  	v27 =	vand.u32 $0x7FFFFFFF, v20;
	vm0 =	vmor vm15, vm14;
	v6 =	vadd.f32 v9, v6  }
0x71: {  	vm5 =	vgt.f32 v59, $0.0e+00;
	vm4 =	vlt.f32 v59, $0.0e+00;
	v8 =	vsel vm0, v14, v55  }
0x72: {  	vm6 =	vmor vm5, vm4;
	v9 =	vor.u32 v15, v0;
	v6 =	vadd.f32 v8, v6  }
0x73: {  	vm7 =	vlt.f32 v63, $0.0e+00;
	vm8 =	vgt.f32 v63, $0.0e+00;
	v9 =	vsel vm6, v9, v59  }
0x74: {  	v22 =	vand.u32 $0x7FFFFFFF, v16;
	vm0 =	vmor vm8, vm7;
	v6 =	vadd.f32 v9, v6  }
0x75: {  	vm9 =	vlt.f32 v16, $0.0e+00;
	vm10 =	vgt.f32 v16, $0.0e+00;
	v9 =	vsel vm0, v19, v63  }
0x76: {  	v26 =	vand.u32 $0x80000000, v20;
	vm0 =	vmor vm10, vm9;
	v6 =	vadd.f32 v9, v6  }
0x77: {  	vm12 =	vgt.f32 v20, $0.0e+00;
	vm11 =	vlt.f32 v20, $0.0e+00;
	v8 =	vsel vm0, v25, v16  }
0x78: {  	vm13 =	vmor vm12, vm11;
	v9 =	vor.u32 v26, v0;
	v6 =	vadd.f32 v8, v6  }
0x79: {  	vm14 =	vlt.f32 v24, $0.0e+00;
	vm15 =	vgt.f32 v24, $0.0e+00;
	v9 =	vsel vm13, v9, v20  }
0x7a: {  	v7 =	vmax.f32 v7, v22;
	vm0 =	vmor vm15, vm14;
	v6 =	vadd.f32 v9, v6  }
0x7b: {  	v7 =	vmax.f32 v7, v27;
	v30 =	vand.u32 $0x7FFFFFFF, v24;
	v9 =	vsel vm0, v29, v24  }
0x7c: {  	v7 =	vmax.f32 v7, v30;
	v6 =	vadd.f32 v9, v6  }
0x7d: {  	[tilespmem:$0x400] =	vst v7  }
0x7e: {  	[tilespmem:$0x480] =	vst v6  }
0x7f: {  	[spmem:s5] =	stream.linear.scatter [tilespmem:s11], [sflag:$0x5], $0x100, $0x38;
	[tilespmem:$0x920] =	vst v63  }
0x80: {  	_ =	swait.ge [sflag:s15], $0x100  }
0x81: {  	[sflag:s15] =	ssyncset.done $0x0  }
0x82: {  	[sflag:s15] =	ssyncadd.s32 $0xFFFFFF00  }
0x83: {  	[bflag:$0x0] =	sbarrier.arrive $0xFFFF  }
0x84: {  	[tilespmem:s16], [sflag:$0x5] =	stream.linear.gather [spmem:s6], $0x400, $0x38;
	[tilespmem:$0x920] =	vst v63  }
0x85: {  	_ =	swait.ge [sflag:s15], $0x400  }
0x86: {  	[sflag:s15] =	ssyncset.done $0x0  }
0x87: {  	[sflag:s15] =	ssyncadd.s32 $0xFFFFFC00  }
0x88: {  	v6 =	vld [tilespmem:$0x580]  }
0x89: {  	v7 =	vld [tilespmem:$0x680]  }
0x8a: {  	v31 =	vld [tilespmem:$0x500]  }
0x8b: {  	v32 =	vld [tilespmem:$0x780]  }
0x8c: {  	v33 =	vld [tilespmem:$0x600]  }
0x8d: {  	v34 =	vld [tilespmem:$0x880]  }
0x8e: {  	v35 =	vld [tilespmem:$0x800]  }
0x8f: {  	v41 =	vld [tilespmem:$0x0]  }
0x90: {  	v42 =	vld [tilespmem:$0x10]  }
0x91: {  	v44 =	vld [tilespmem:$0x20]  }
0x92: {  	v46 =	vld [tilespmem:$0x30]  }
0x93: {  	v47 =	vld [tilespmem:$0x40]  }
0x94: {  	v14 =	vld [tilespmem:$0x50]  }
0x95: {  	v50 =	vld [tilespmem:$0x60]  }
0x96: {  	v52 =	vld [tilespmem:$0x70]  }
0x97: {  	v17 =	vld [tilespmem:$0x80]  }
0x98: {  	v53 =	vld [tilespmem:$0x90];
	v6 =	vadd.f32 v7, v6;
	v8 =	vmax.f32 v31, v33;
	v43 =	vand.u32 $0x80000000, v41  }
0x99: {  	v7 =	vld [tilespmem:$0x700];
	vm4 =	vlt.f32 v41, $0.0e+00;
	vm5 =	vgt.f32 v41, $0.0e+00;
	v45 =	vand.u32 $0x80000000, v42  }
0x9a: {  	v19 =	vld [tilespmem:$0xA0];
	vm6 =	vlt.f32 v42, $0.0e+00;
	vm7 =	vgt.f32 v42, $0.0e+00;
	v48 =	vand.u32 $0x80000000, v44  }
0x9b: {  	v21 =	vld [tilespmem:$0xB0];
	vm8 =	vlt.f32 v44, $0.0e+00;
	vm9 =	vgt.f32 v44, $0.0e+00;
	v6 =	vadd.f32 v32, v6  }
0x9c: {  	v58 =	vld [tilespmem:$0xC0];
	v49 =	vand.u32 $0x80000000, v46;
	vm10 =	vlt.f32 v46, $0.0e+00;
	vm11 =	vgt.f32 v46, $0.0e+00  }
0x9d: {  	v22 =	vld [tilespmem:$0xD0];
	v15 =	vand.u32 $0x80000000, v47;
	vm12 =	vlt.f32 v47, $0.0e+00;
	v6 =	vadd.f32 v34, v6  }
0x9e: {  	v61 =	vld [tilespmem:$0xE0];
	vm13 =	vgt.f32 v47, $0.0e+00;
	v51 =	vand.u32 $0x80000000, v14;
	v7 =	vmax.f32 v8, v7  }
0x9f: {  	v24 =	vld [tilespmem:$0xF0];
	vm15 =	vlt.f32 v14, $0.0e+00;
	v7 =	vmax.f32 v7, v35;
	v36 =	vperm.xlane v6, v1  }
0xa0: {  	v16 =	vand.u32 $0x80000000, v50;
	v18 =	vand.u32 $0x80000000, v52;
	v37 =	vperm.xlane v7, v1  }
0xa1: {  	v20 =	vand.u32 $0x80000000, v17;
	v55 =	vand.u32 $0x80000000, v53;
	v6 =	vadd.f32 v36, v6  }
0xa2: {  	v56 =	vand.u32 $0x80000000, v19;
	v59 =	vand.u32 $0x80000000, v21;
	v7 =	vmax.f32 v7, v37  }
0xa3: {  	v60 =	vand.u32 $0x80000000, v58;
	v38 =	vperm.xlane v7, v3;
	v39 =	vperm.xlane v6, v3  }
0xa4: {  	v63 =	vand.u32 $0x80000000, v22;
	v25 =	vand.u32 $0x80000000, v61;
	v26 =	vand.u32 $0x80000000, v24  }
0xa5: {  	v10 =	vor.u32 v43, v0;
	v7 =	vmax.f32 v7, v38;
	v6 =	vadd.f32 v39, v6  }
0xa6: {  	vm0 =	vmor vm5, vm4;
	v11 =	vor.u32 v45, v0;
	v8 =	vperm.xlane v7, v4  }
0xa7: {  	v13 =	vor.u32 v48, v0;
	v15 =	vor.u32 v15, v0;
	v9 =	vperm.xlane v6, v4  }
0xa8: {  	vm14 =	vmor vm13, vm12;
	vm4 =	vgt.f32 v14, $0.0e+00;
	v7 =	vmax.f32 v7, v8  }
0xa9: {  	vm5 =	vlt.f32 v50, $0.0e+00;
	v8 =	vperm.xlane v7, v5;
	v6 =	vadd.f32 v9, v6  }
0xaa: {  	v16 =	vor.u32 v16, v0;
	v18 =	vor.u32 v18, v0;
	v54 =	vor.u32 v20, v0  }
0xab: {  	vm12 =	vlt.f32 v53, $0.0e+00;
	v7 =	vmax.f32 v7, v8;
	v40 =	vperm.xlane v6, v5  }
0xac: {  	vm13 =	vgt.f32 v53, $0.0e+00;
	v20 =	vor.u32 v56, v0;
	v7 =	vadd.f32 $-1.023500000e+03, v7  }
0xad: {  	v9 =	vsel vm0, v10, v41;
	vm0 =	vmor vm7, vm6;
	v8 =	vadd.f32 v40, v6  }
0xae: {  	vm6 =	vgt.f32 v50, $0.0e+00;
	vm7 =	vlt.f32 v52, $0.0e+00;
	v6 =	vclamp.gez.f32 v7, $0.0e+00  }
0xaf: {  	v7 =	vmul.f32 v8, v6;
	v9 =	vmul.f32 v9, v6;
	v8 =	vsel vm0, v11, v42  }
0xb0: {  	vm0 =	vmor vm9, vm8;
	v11 =	vsel vm14, v15, v47;
	v15 =	vor.u32 v51, v0  }
0xb1: {  	vm8 =	vgt.f32 v52, $0.0e+00;
	vm9 =	vlt.f32 v17, $0.0e+00;
	vm14 =	vlt.f32 v19, $0.0e+00  }
0xb2: {  	v8 =	vmul.f32 v8, v6;
	v10 =	vsel vm0, v13, v44;
	v13 =	vor.u32 v49, v0  }
0xb3: {  	vm0 =	vmor vm11, vm10;
	v11 =	vmul.f32 v11, v6;
	vm10 =	vgt.f32 v17, $0.0e+00  }
0xb4: {  	v7 =	vadd.f32 $-1.000000000e+00, v7;
	v10 =	vmul.f32 v10, v6;
	v12 =	vsel vm0, v13, v46  }
0xb5: {  	vm0 =	vmor vm4, vm15;
	vm11 =	vmor vm10, vm9;
	vm15 =	vgt.f32 v19, $0.0e+00  }
0xb6: {  	vm9 =	vlt.f32 v58, $0.0e+00;
	vm10 =	vgt.f32 v58, $0.0e+00;
	vm4 =	vlt.f32 v24, $0.0e+00  }
0xb7: {  	v12 =	vmul.f32 v12, v6;
	v14 =	vsel vm0, v15, v14;
	vm0 =	vmor vm6, vm5  }
0xb8: {  	v17 =	vsel vm11, v54, v17;
	vm6 =	vmor vm15, vm14;
	vm11 =	vlt.f32 v22, $0.0e+00  }
0xb9: {  	vm14 =	vlt.f32 v61, $0.0e+00;
	vm15 =	vgt.f32 v61, $0.0e+00;
	vm5 =	vgt.f32 v24, $0.0e+00  }
0xba: {  	v7 =	vmul.f32 v7, v2;
	v14 =	vmul.f32 v14, v6;
	v13 =	vsel vm0, v16, v50  }
0xbb: {  	vm0 =	vmor vm8, vm7;
	v17 =	vmul.f32 v17, v6;
	v57 =	vsel vm6, v20, v19  }
0xbc: {  	vm7 =	vlt.f32 v21, $0.0e+00;
	vm8 =	vgt.f32 v21, $0.0e+00;
	v20 =	vor.u32 v59, v0  }
0xbd: {  	vm6 =	vmor vm5, vm4;
	v13 =	vmul.f32 v13, v6;
	v15 =	vsel vm0, v18, v52  }
0xbe: {  	v18 =	vor.u32 v55, v0;
	v9 =	vsub.f32 v9, v7;
	v8 =	vsub.f32 v8, v7  }
0xbf: {  	vm0 =	vmor vm13, vm12;
	v10 =	vsub.f32 v10, v7;
	v12 =	vsub.f32 v12, v7  }
0xc0: {  	vm12 =	vgt.f32 v22, $0.0e+00;
	v11 =	vsub.f32 v11, v7;
	v14 =	vsub.f32 v14, v7  }
0xc1: {  	v15 =	vmul.f32 v15, v6;
	v16 =	vsel vm0, v18, v53;
	v18 =	vmul.f32 v57, v6  }
0xc2: {  	v17 =	vsub.f32 v17, v7;
	vm0 =	vmor vm8, vm7;
	vm13 =	vmor vm12, vm11  }
0xc3: {  	v13 =	vsub.f32 v13, v7;
	v16 =	vmul.f32 v16, v6;
	v9 =	vmax.f32 v9, $0.0e+00  }
0xc4: {  	v20 =	vsel vm0, v20, v21;
	vm0 =	vmor vm10, vm9;
	v8 =	vmax.f32 v8, $0.0e+00;
	[tilespmem:$0x200] =	vst v9  }
0xc5: {  	v10 =	vmax.f32 v10, $0.0e+00;
	v12 =	vmax.f32 v12, $0.0e+00;
	v11 =	vmax.f32 v11, $0.0e+00;
	[tilespmem:$0x210] =	vst v8  }
0xc6: {  	v15 =	vsub.f32 v15, v7;
	v14 =	vmax.f32 v14, $0.0e+00;
	v18 =	vsub.f32 v18, v7;
	[tilespmem:$0x220] =	vst v10  }
0xc7: {  	v17 =	vmax.f32 v17, $0.0e+00;
	v62 =	vmul.f32 v20, v6;
	v13 =	vmax.f32 v13, $0.0e+00;
	[tilespmem:$0x230] =	vst v12  }
0xc8: {  	v16 =	vsub.f32 v16, v7;
	v9 =	vor.u32 v60, v0;
	v10 =	vor.u32 v63, v0;
	[tilespmem:$0x240] =	vst v11  }
0xc9: {  	[tilespmem:$0x250] =	vst v14;
	v11 =	vor.u32 v25, v0;
	v12 =	vor.u32 v26, v0;
	v15 =	vmax.f32 v15, $0.0e+00  }
0xca: {  	[tilespmem:$0x280] =	vst v17;
	v18 =	vmax.f32 v18, $0.0e+00;
	v9 =	vsel vm0, v9, v58;
	v8 =	vsub.f32 v62, v7  }
0xcb: {  	v10 =	vsel vm13, v10, v22;
	[tilespmem:$0x260] =	vst v13;
	vm0 =	vmor vm15, vm14;
	v9 =	vmul.f32 v9, v6  }
0xcc: {  	v12 =	vsel vm6, v12, v24;
	v16 =	vmax.f32 v16, $0.0e+00;
	v10 =	vmul.f32 v10, v6;
	[tilespmem:$0x270] =	vst v15  }
0xcd: {  	v11 =	vsel vm0, v11, v61;
	[tilespmem:$0x2A0] =	vst v18;
	v12 =	vmul.f32 v12, v6;
	v9 =	vsub.f32 v9, v7  }
0xce: {  	[tilespmem:$0x290] =	vst v16;
	v11 =	vmul.f32 v11, v6;
	v8 =	vmax.f32 v8, $0.0e+00;
	v10 =	vsub.f32 v10, v7  }
0xcf: {  	[tilespmem:$0x2B0] =	vst v8;
	v30 =	vsub.f32 v12, v7;
	v27 =	vmax.f32 v9, $0.0e+00  }
0xd0: {  	v28 =	vsub.f32 v11, v7;
	v29 =	vmax.f32 v10, $0.0e+00;
	[tilespmem:$0x2C0] =	vst v27  }
0xd1: {  	v32 =	vmax.f32 v30, $0.0e+00;
	[tilespmem:$0x2D0] =	vst v29  }
0xd2: {  	v31 =	vmax.f32 v28, $0.0e+00;
	[tilespmem:$0x2F0] =	vst v32  }
0xd3: {  	[tilespmem:$0x2E0] =	vst v31  }
0xd4: {  	[hbm4b:s7+s10] =	stream.strided.scatter [tilespmem:s17], [sflag:$0x3], $0x100, s11, s10, $0x38;
	[tilespmem:$0x920] =	vst v63  }
0xd5: {  	v33 =	vld [tilespmem:$0x100]  }
0xd6: {  	v34 =	vld [tilespmem:$0x110]  }
0xd7: {  	v36 =	vld [tilespmem:$0x120]  }
0xd8: {  	v37 =	vld [tilespmem:$0x130]  }
0xd9: {  	v39 =	vld [tilespmem:$0x140]  }
0xda: {  	v42 =	vld [tilespmem:$0x150]  }
0xdb: {  	v43 =	vld [tilespmem:$0x160]  }
0xdc: {  	v45 =	vld [tilespmem:$0x170]  }
0xdd: {  	v50 =	vld [tilespmem:$0x180]  }
0xde: {  	v51 =	vld [tilespmem:$0x190]  }
0xdf: {  	v53 =	vld [tilespmem:$0x1A0]  }
0xe0: {  	v56 =	vld [tilespmem:$0x1B0]  }
0xe1: {  	v58 =	vld [tilespmem:$0x1C0];
	v35 =	vand.u32 $0x80000000, v33;
	vm7 =	vlt.f32 v33, $0.0e+00;
	vm8 =	vgt.f32 v33, $0.0e+00  }
0xe2: {  	v23 =	vld [tilespmem:$0x1D0];
	v38 =	vand.u32 $0x80000000, v34;
	vm9 =	vlt.f32 v34, $0.0e+00;
	vm10 =	vgt.f32 v34, $0.0e+00  }
0xe3: {  	v61 =	vld [tilespmem:$0x1E0];
	v40 =	vand.u32 $0x80000000, v36;
	vm12 =	vlt.f32 v36, $0.0e+00;
	vm13 =	vgt.f32 v36, $0.0e+00  }
0xe4: {  	v26 =	vld [tilespmem:$0x1F0];
	v41 =	vand.u32 $0x80000000, v37;
	vm14 =	vlt.f32 v37, $0.0e+00;
	vm15 =	vgt.f32 v37, $0.0e+00  }
0xe5: {  	v44 =	vand.u32 $0x80000000, v39;
	vm4 =	vgt.f32 v39, $0.0e+00;
	v48 =	vand.u32 $0x80000000, v42  }
0xe6: {  	v49 =	vand.u32 $0x80000000, v43;
	v52 =	vand.u32 $0x80000000, v45;
	v55 =	vand.u32 $0x80000000, v50  }
0xe7: {  	vm6 =	vlt.f32 v50, $0.0e+00;
	v57 =	vand.u32 $0x80000000, v51;
	v24 =	vand.u32 $0x80000000, v53  }
0xe8: {  	v62 =	vand.u32 $0x80000000, v56;
	v63 =	vand.u32 $0x80000000, v58;
	v25 =	vand.u32 $0x80000000, v23  }
0xe9: {  	v27 =	vand.u32 $0x80000000, v61;
	v28 =	vand.u32 $0x80000000, v26;
	v10 =	vor.u32 v35, v0  }
0xea: {  	vm0 =	vmor vm8, vm7;
	v13 =	vor.u32 v38, v0;
	vm11 =	vmor vm10, vm9  }
0xeb: {  	vm8 =	vlt.f32 v39, $0.0e+00;
	vm1 =	vmor vm15, vm14;
	v17 =	vor.u32 v44, v0  }
0xec: {  	vm10 =	vlt.f32 v42, $0.0e+00;
	v14 =	vor.u32 v49, v0;
	vm14 =	vlt.f32 v45, $0.0e+00  }
0xed: {  	vm15 =	vgt.f32 v45, $0.0e+00;
	v20 =	vor.u32 v52, v0;
	vm7 =	vgt.f32 v50, $0.0e+00  }
0xee: {  	v16 =	vor.u32 v55, v0;
	v24 =	vor.u32 v24, v0;
	v21 =	vor.u32 v62, v0  }
0xef: {  	v25 =	vor.u32 v25, v0;
	v8 =	vsel vm0, v10, v33;
	v9 =	vsel vm11, v13, v34  }
0xf0: {  	v10 =	vor.u32 v40, v0;
	vm0 =	vmor vm13, vm12;
	v13 =	vor.u32 v41, v0  }
0xf1: {  	vm9 =	vmor vm4, vm8;
	vm11 =	vgt.f32 v42, $0.0e+00;
	vm12 =	vlt.f32 v43, $0.0e+00  }
0xf2: {  	vm13 =	vgt.f32 v43, $0.0e+00;
	vm5 =	vmor vm15, vm14;
	vm8 =	vlt.f32 v51, $0.0e+00  }
0xf3: {  	vm14 =	vgt.f32 v56, $0.0e+00;
	vm15 =	vlt.f32 v58, $0.0e+00;
	v10 =	vsel vm0, v10, v36  }
0xf4: {  	v46 =	vsel vm1, v13, v37;
	v47 =	vsel vm9, v17, v39;
	v13 =	vor.u32 v48, v0  }
0xf5: {  	vm0 =	vmor vm11, vm10;
	vm1 =	vmor vm13, vm12;
	v54 =	vsel vm5, v20, v45  }
0xf6: {  	v20 =	vor.u32 v57, v0;
	vm9 =	vgt.f32 v51, $0.0e+00;
	vm10 =	vlt.f32 v53, $0.0e+00  }
0xf7: {  	vm11 =	vgt.f32 v53, $0.0e+00;
	vm13 =	vlt.f32 v56, $0.0e+00;
	vm5 =	vgt.f32 v23, $0.0e+00  }
0xf8: {  	v8 =	vmul.f32 v8, v6;
	v9 =	vmul.f32 v9, v6;
	v13 =	vsel vm0, v13, v42  }
0xf9: {  	v14 =	vsel vm1, v14, v43;
	vm0 =	vmor vm7, vm6;
	vm1 =	vmor vm9, vm8  }
0xfa: {  	vm12 =	vmor vm11, vm10;
	vm8 =	vgt.f32 v58, $0.0e+00;
	v10 =	vmul.f32 v10, v6  }
0xfb: {  	vm9 =	vlt.f32 v23, $0.0e+00;
	v11 =	vmul.f32 v46, v6;
	v12 =	vmul.f32 v47, v6  }
0xfc: {  	v37 =	vmul.f32 v54, v6;
	v16 =	vsel vm0, v16, v50;
	v59 =	vsel vm1, v20, v51  }
0xfd: {  	v60 =	vsel vm12, v24, v53;
	vm0 =	vmor vm14, vm13;
	vm10 =	vmor vm8, vm15  }
0xfe: {  	vm11 =	vmor vm5, vm9;
	v24 =	vor.u32 v63, v0;
	vm12 =	vlt.f32 v61, $0.0e+00  }
0xff: {  	vm13 =	vgt.f32 v61, $0.0e+00;
	vm14 =	vlt.f32 v26, $0.0e+00;
	vm15 =	vgt.f32 v26, $0.0e+00  }
0x100: {  	v8 =	vsub.f32 v8, v7;
	v9 =	vsub.f32 v9, v7;
	v31 =	vmul.f32 v13, v6  }
0x101: {  	v34 =	vmul.f32 v14, v6;
	v18 =	vsel vm0, v21, v56;
	v24 =	vsel vm10, v24, v58  }
0x102: {  	v25 =	vsel vm11, v25, v23;
	vm0 =	vmor vm13, vm12;
	v23 =	vor.u32 v27, v0  }
0x103: {  	v10 =	vsub.f32 v10, v7;
	v30 =	vsub.f32 v11, v7;
	v8 =	vmax.f32 v8, $0.0e+00  }
0x104: {  	v33 =	vsub.f32 v12, v7;
	v40 =	vmul.f32 v16, v6;
	v29 =	vmax.f32 v9, $0.0e+00;
	[tilespmem:$0x300] =	vst v8  }
0x105: {  	v42 =	vsub.f32 v37, v7;
	v43 =	vmul.f32 v59, v6;
	[tilespmem:$0x310] =	vst v29;
	v32 =	vmax.f32 v10, $0.0e+00  }
0x106: {  	v46 =	vmul.f32 v60, v6;
	v20 =	vsel vm0, v23, v61;
	v35 =	vmax.f32 v30, $0.0e+00;
	[tilespmem:$0x320] =	vst v32  }
0x107: {  	vm0 =	vmor vm15, vm14;
	v36 =	vsub.f32 v31, v7;
	v38 =	vmax.f32 v33, $0.0e+00;
	[tilespmem:$0x330] =	vst v35  }
0x108: {  	v23 =	vor.u32 v28, v0;
	v39 =	vsub.f32 v34, v7;
	v47 =	vmax.f32 v42, $0.0e+00;
	[tilespmem:$0x340] =	vst v38  }
0x109: {  	v49 =	vmul.f32 v18, v6;
	v45 =	vsub.f32 v40, v7;
	v41 =	vmax.f32 v36, $0.0e+00;
	[tilespmem:$0x370] =	vst v47  }
0x10a: {  	v52 =	vmul.f32 v24, v6;
	v48 =	vsub.f32 v43, v7;
	v44 =	vmax.f32 v39, $0.0e+00;
	[tilespmem:$0x350] =	vst v41  }
0x10b: {  	v55 =	vmul.f32 v25, v6;
	v51 =	vsub.f32 v46, v7;
	[tilespmem:$0x360] =	vst v44;
	v50 =	vmax.f32 v45, $0.0e+00  }
0x10c: {  	v23 =	vsel vm0, v23, v26;
	v54 =	vsub.f32 v49, v7;
	v53 =	vmax.f32 v48, $0.0e+00;
	[tilespmem:$0x380] =	vst v50  }
0x10d: {  	v58 =	vmul.f32 v20, v6;
	v57 =	vsub.f32 v52, v7;
	v56 =	vmax.f32 v51, $0.0e+00;
	[tilespmem:$0x390] =	vst v53  }
0x10e: {  	v6 =	vmul.f32 v23, v6;
	v60 =	vsub.f32 v55, v7;
	[tilespmem:$0x3A0] =	vst v56;
	v59 =	vmax.f32 v54, $0.0e+00  }
0x10f: {  	v62 =	vsub.f32 v58, v7;
	v61 =	vmax.f32 v57, $0.0e+00;
	[tilespmem:$0x3B0] =	vst v59  }
0x110: {  	v63 =	vmax.f32 v60, $0.0e+00;
	v6 =	vsub.f32 v6, v7;
	[tilespmem:$0x3C0] =	vst v61  }
0x111: {  	[tilespmem:$0x3D0] =	vst v63;
	v7 =	vmax.f32 v62, $0.0e+00  }
0x112: {  	[tilespmem:$0x3E0] =	vst v7;
	v6 =	vmax.f32 v6, $0.0e+00  }
0x113: {  	[tilespmem:$0x3F0] =	vst v6  }
0x114: {  	[hbm4b:s8+s10] =	stream.strided.scatter [tilespmem:s18], [sflag:$0x4], $0x100, s11, s10, $0x38;
	[tilespmem:$0x920] =	vst v63  }
0x115: {  	p0 =	sne.s32 s9, $0x1;
	_ =	swait.ge [sflag:s19], $0x100  }
.Ltmp0:
0x116: {  	[sflag:s19] =	ssyncset.done $0x0;
	(pc) =	sbr.rel @p0 .LBB2_1-.Ltmp0, $4  }
0x117: {  	[sflag:s19] =	ssyncadd.s32 $0xFFFFFF00  }
0x118: {  	_ =	swait.ge [sflag:s20], $0x100  }
0x119: {  	[sflag:s20] =	ssyncset.done $0x0  }
0x11a: {  	s9 =	sadd.s32 $0xFFFFFFFF, s9;
	[sflag:s20] =	ssyncadd.s32 $0xFFFFFF00  }
0x11b: {  	_ =	sfence.sel $0x180000  }
0x11c: {  	[bflag:$0x0] =	sbarrier.arrive $0xFFFF  }
0x11d: {  	p0 =	sne.s32 s2, $0x0;
	_ =	strace $0x90000047  }
0x11e: {  	s0 =	sadd.s32 @!p0 $0x100000, s0;
	[bflag:$0x2] =	sbarrier.arrive $0xFFFF  }
0x11f: {  	[sflag:s0] =	ssyncadd.tile.s32 @!p0 $0x1;
	_ =	shalt  }
.Lfunc_end2:
_tile_overlayer_lowered:
.L_overlay_start_2:
0x120: {  	(tag) =	ssettag $0x2  }
0x121: {  	s0 =	rddreg [dreg:$0x0];
	s2 =	stileid.u32  }
0x122: {  	s1 =	rddreg [dreg:$0x1];
	p0 =	sne.s32 s2, $0x0  }
0x123: {  	s3 =	rddreg [dreg:$0x2];
	[bflag:$0x3] =	sbarrier.arrive $0xFFFF;
	s2 =	simm.s32 @!p0 $0x1C05  }
0x124: {  	[timem:s3], [sflag:s2] =	dma.local @!p0 [hbm:s0], s1  }
0x125: {  	s0 =	simm.s32 @!p0 $0x5  }
0x126: {  	_ =	swait.ge @!p0 [sflag:s0], s1  }
0x127: {  	s1 =	ssub.s32 @!p0 $0x0, s1;
	[sflag:s0] =	ssyncset.done @!p0 $0x0  }
0x128: {  	[sflag:s0] =	ssyncadd.s32 @!p0 s1  }
0x129: {  	[bflag:$0x3] =	sbarrier.arrive $0xFFFF  }
0x12a: {  	_ =	shalt  }

</sc_bundles>
